<compile_context>
chip_gen: v7x
topology: tpu7x:2x2x1
jax: 0.10.2.dev20260603
libtpu: 0.0.44.dev20260713+nightly
codegen_flags: <defaults>
</compile_context>

<pallas_src>
import functools

import jax
import jax.numpy as jnp
from jax import lax
from jax.experimental import pallas as pl
from jax.experimental.pallas import tpu as pltpu
from jax.experimental.pallas import tpu_sc as plsc

B = 16384
D = 32
NC = 2
NS = 16
NW = NC * NS
BPW = B // NW
CHUNK = 128
NCHUNK = BPW // CHUNK


def _mf_body(users_hbm, items_hbm, ut_hbm, it_hbm, out_hbm,
             uidx_v, iidx_v, urows_v, irows_v, stage_v, out_v, sem_u, sem_i):
    wid = lax.axis_index("s") * NC + lax.axis_index("c")
    base = wid * BPW

    pltpu.sync_copy(users_hbm.at[wid], uidx_v)
    pltpu.sync_copy(items_hbm.at[wid], iidx_v)

    for j in range(NCHUNK):
        pltpu.async_copy(ut_hbm.at[uidx_v.at[j]],
                         urows_v.at[pl.ds(j * CHUNK, CHUNK)], sem_u)
        pltpu.async_copy(it_hbm.at[iidx_v.at[j]],
                         irows_v.at[pl.ds(j * CHUNK, CHUNK)], sem_i)
    def row(b, carry):
        u0 = urows_v[b, pl.ds(0, 16)]
        u1 = urows_v[b, pl.ds(16, 16)]
        i0 = irows_v[b, pl.ds(0, 16)]
        i1 = irows_v[b, pl.ds(16, 16)]
        stage_v[pl.ds(b * 16, 16)] = u0 * i0 + u1 * i1
        return carry

    for j in range(NCHUNK):
        pltpu.make_async_copy(ut_hbm.at[uidx_v.at[j]],
                              urows_v.at[pl.ds(j * CHUNK, CHUNK)], sem_u).wait()
        pltpu.make_async_copy(it_hbm.at[iidx_v.at[j]],
                              irows_v.at[pl.ds(j * CHUNK, CHUNK)], sem_i).wait()
        lax.fori_loop(j * CHUNK, (j + 1) * CHUNK, row, 0, unroll=8)

    lanes = lax.iota(jnp.int32, 16)

    def group(k, carry):
        base = k * 256 + lanes * 16
        acc = plsc.load_gather(stage_v, [base])
        for l in range(1, 16):
            acc = acc + plsc.load_gather(stage_v, [base + l])
        x = jnp.minimum(jnp.maximum(acc, -10.0), 10.0)
        out_v[pl.ds(k * 16, 16)] = 1.0 / (1.0 + jnp.exp(-x))
        return carry

    lax.fori_loop(0, BPW // 16, group, 0, unroll=2)

    pltpu.sync_copy(out_v, out_hbm.at[pl.ds(base, BPW)])


@jax.jit
def _mf_forward(users_r, items_r, user_table, item_table):
    mesh = plsc.VectorSubcoreMesh(core_axis_name="c", subcore_axis_name="s")
    return pl.kernel(
        _mf_body,
        mesh=mesh,
        out_type=jax.ShapeDtypeStruct((B,), jnp.float32),
        compiler_params=pltpu.CompilerParams(
            needs_layout_passes=False, use_tc_tiling_on_sc=False),
        scratch_types=[
            pltpu.VMEM((NCHUNK, CHUNK), jnp.int32),
            pltpu.VMEM((NCHUNK, CHUNK), jnp.int32),
            pltpu.VMEM((BPW, D), jnp.float32),
            pltpu.VMEM((BPW, D), jnp.float32),
            pltpu.VMEM((BPW * 16,), jnp.float32),
            pltpu.VMEM((BPW,), jnp.float32),
            pltpu.SemaphoreType.DMA,
            pltpu.SemaphoreType.DMA,
        ],
    )(users_r, items_r, user_table, item_table)


def kernel(users, items, user_table, item_table):
    users_r = jnp.reshape(users.astype(jnp.int32), (NW, NCHUNK, CHUNK))
    items_r = jnp.reshape(items.astype(jnp.int32), (NW, NCHUNK, CHUNK))
    return _mf_forward(users_r, items_r, user_table, item_table)

# --- scband reference (transcript-rebuilt; emitter-appended) ---
"""Pipeline reference for scband-mfmodel-87591563035204 (READ-ONLY COPY).

The authoritative reference and input builder live on the scoring server;
editing this copy changes nothing except your own understanding.
"""

import jax, jax.numpy as jnp
import numpy as np

NUM_USERS = 1000000
NUM_ITEMS = 100000
LATENT_DIM = 32
BATCH = 16384

def setup_inputs(seed: int = 0) -> dict:
    key = jax.random.key(seed)
    k1, k2, k3, k4 = jax.random.split(key, 4)
    users = jax.random.randint(k1, (BATCH,), 0, NUM_USERS, dtype=jnp.int64) if jax.config.jax_enable_x64 else jax.random.randint(k1, (BATCH,), 0, NUM_USERS, dtype=jnp.int32)
    items = jax.random.randint(k2, (BATCH,), 0, NUM_ITEMS, dtype=jnp.int32)
    # Embedding tables (row 0 is padding_idx, zeroed; rest xavier_normal)
    u_std = float(np.sqrt(2.0 / (NUM_USERS + LATENT_DIM)))
    i_std = float(np.sqrt(2.0 / (NUM_ITEMS + LATENT_DIM)))
    user_table = jax.random.normal(k3, (NUM_USERS + 1, LATENT_DIM), dtype=jnp.float32) * u_std
    item_table = jax.random.normal(k4, (NUM_ITEMS + 1, LATENT_DIM), dtype=jnp.float32) * i_std
    user_table = user_table.at[0].set(0.0)
    item_table = item_table.at[0].set(0.0)
    return {"users": users, "items": items, "user_table": user_table, "item_table": item_table}

def reference(users, items, user_table, item_table):
    u = jnp.take(user_table, users, axis=0)   # [B, D]
    i = jnp.take(item_table, items, axis=0)   # [B, D]
    interaction = u * i
    pred = jnp.sum(interaction, axis=1)
    pred = jnp.clip(pred, -10.0, 10.0)
    return jax.nn.sigmoid(pred)

if __name__ == "__main__":
    import jax
    _d = setup_inputs()
    print(jax.jit(kernel)(*tuple(_d.values())))

</pallas_src>

<mosaic_0001>
#map = affine_map<(d0, d1) -> (0, 0, 0)>
#map1 = affine_map<(d0, d1) -> (0, 0)>
#map2 = affine_map<(d0, d1) -> (0)>
module attributes {stable_mosaic.version = 14 : i64} {
  func.func @_mf_body(%arg0: i32, %arg1: i32, %arg2: memref<32x4x128xi32, #tpu.memory_space<hbm>>, %arg3: memref<32x4x128xi32, #tpu.memory_space<hbm>>, %arg4: memref<1000001x32xf32, #tpu.memory_space<hbm>>, %arg5: memref<100001x32xf32, #tpu.memory_space<hbm>>, %arg6: memref<16384xf32, #tpu.memory_space<hbm>>, %arg7: memref<4x128xi32, #tpu.memory_space<vmem>>, %arg8: memref<4x128xi32, #tpu.memory_space<vmem>>, %arg9: memref<512x32xf32, #tpu.memory_space<vmem>>, %arg10: memref<512x32xf32, #tpu.memory_space<vmem>>, %arg11: memref<8192xf32, #tpu.memory_space<vmem>>, %arg12: memref<512xf32, #tpu.memory_space<vmem>>, %arg13: memref<!tpu.dma_semaphore, #tpu.memory_space<semaphore_mem>>, %arg14: memref<!tpu.dma_semaphore, #tpu.memory_space<semaphore_mem>>) attributes {dimension_semantics = [#tpu.dimension_semantics<core_parallel>, #tpu.dimension_semantics<subcore_parallel>], iteration_bounds = array<i64: 2, 16>, scalar_prefetch = 0 : i64, scratch_operands = 8 : i64, tpu.core_type = #tpu.core_type<sc_vector_subcore>, window_params = [{transform_indices = #map}, {transform_indices = #map}, {transform_indices = #map1}, {transform_indices = #map1}, {transform_indices = #map2}]} {
    %mul3A = arith.constant 2 : i32
    %mul3A_0 = arith.muli %arg1, %mul3A : i32
    %add3A = arith.addi %mul3A_0, %arg0 : i32
    %mul3A_1 = arith.constant 512 : i32
    %mul3A_2 = arith.muli %add3A, %mul3A_1 : i32
    "tpu.region"() ({
      %run_scoped3A = tpu.sem_alloc : memref<!tpu.dma_semaphore, #tpu.memory_space<semaphore_mem>>
      %dma_start3A_190 = arith.constant 0 : i32
      %dma_start3A_191 = arith.constant 0 : i32
      %dma_start3A_192 = tpu.memref_slice %arg2[%add3A, %dma_start3A_190, %dma_start3A_191] : memref<32x4x128xi32, #tpu.memory_space<hbm>> -> memref<1x4x128xi32, #tpu.memory_space<hbm>>
      %dma_start3A_193 = tpu.memref_squeeze %dma_start3A_192 : memref<1x4x128xi32, #tpu.memory_space<hbm>> -> memref<4x128xi32, #tpu.memory_space<hbm>>
      %dma_start3A_194 = arith.constant 0 : i32
      %dma_start3A_195 = arith.constant 0 : i32
      %dma_start3A_196 = tpu.memref_slice %arg2[%add3A, %dma_start3A_194, %dma_start3A_195] : memref<32x4x128xi32, #tpu.memory_space<hbm>> -> memref<1x4x128xi32, #tpu.memory_space<hbm>>
      %dma_start3A_197 = tpu.memref_squeeze %dma_start3A_196 : memref<1x4x128xi32, #tpu.memory_space<hbm>> -> memref<4x128xi32, #tpu.memory_space<hbm>>
      tpu.enqueue_dma source(%dma_start3A_197 : memref<4x128xi32, #tpu.memory_space<hbm>>) target(%arg7 : memref<4x128xi32, #tpu.memory_space<vmem>>) target_semaphore(%run_scoped3A : memref<!tpu.dma_semaphore, #tpu.memory_space<semaphore_mem>>)
      %dma_wait3A_198 = arith.constant 0 : i32
      %dma_wait3A_199 = arith.constant 0 : i32
      %dma_wait3A_200 = tpu.memref_slice %arg2[%add3A, %dma_wait3A_198, %dma_wait3A_199] : memref<32x4x128xi32, #tpu.memory_space<hbm>> -> memref<1x4x128xi32, #tpu.memory_space<hbm>>
      %dma_wait3A_201 = tpu.memref_squeeze %dma_wait3A_200 : memref<1x4x128xi32, #tpu.memory_space<hbm>> -> memref<4x128xi32, #tpu.memory_space<hbm>>
      %dma_wait3A_202 = arith.constant 0 : i32
      %dma_wait3A_203 = arith.constant 0 : i32
      %dma_wait3A_204 = tpu.memref_slice %arg2[%add3A, %dma_wait3A_202, %dma_wait3A_203] : memref<32x4x128xi32, #tpu.memory_space<hbm>> -> memref<1x4x128xi32, #tpu.memory_space<hbm>>
      %dma_wait3A_205 = tpu.memref_squeeze %dma_wait3A_204 : memref<1x4x128xi32, #tpu.memory_space<hbm>> -> memref<4x128xi32, #tpu.memory_space<hbm>>
      tpu.wait_dma2 semaphore(%run_scoped3A : memref<!tpu.dma_semaphore, #tpu.memory_space<semaphore_mem>>) src(%dma_wait3A_205 : memref<4x128xi32, #tpu.memory_space<hbm>>) dst(%arg7 : memref<4x128xi32, #tpu.memory_space<vmem>>)
      tpu.yield
    }) : () -> ()
    "tpu.region"() ({
      %run_scoped3A = tpu.sem_alloc : memref<!tpu.dma_semaphore, #tpu.memory_space<semaphore_mem>>
      %dma_start3A_190 = arith.constant 0 : i32
      %dma_start3A_191 = arith.constant 0 : i32
      %dma_start3A_192 = tpu.memref_slice %arg3[%add3A, %dma_start3A_190, %dma_start3A_191] : memref<32x4x128xi32, #tpu.memory_space<hbm>> -> memref<1x4x128xi32, #tpu.memory_space<hbm>>
      %dma_start3A_193 = tpu.memref_squeeze %dma_start3A_192 : memref<1x4x128xi32, #tpu.memory_space<hbm>> -> memref<4x128xi32, #tpu.memory_space<hbm>>
      %dma_start3A_194 = arith.constant 0 : i32
      %dma_start3A_195 = arith.constant 0 : i32
      %dma_start3A_196 = tpu.memref_slice %arg3[%add3A, %dma_start3A_194, %dma_start3A_195] : memref<32x4x128xi32, #tpu.memory_space<hbm>> -> memref<1x4x128xi32, #tpu.memory_space<hbm>>
      %dma_start3A_197 = tpu.memref_squeeze %dma_start3A_196 : memref<1x4x128xi32, #tpu.memory_space<hbm>> -> memref<4x128xi32, #tpu.memory_space<hbm>>
      tpu.enqueue_dma source(%dma_start3A_197 : memref<4x128xi32, #tpu.memory_space<hbm>>) target(%arg8 : memref<4x128xi32, #tpu.memory_space<vmem>>) target_semaphore(%run_scoped3A : memref<!tpu.dma_semaphore, #tpu.memory_space<semaphore_mem>>)
      %dma_wait3A_198 = arith.constant 0 : i32
      %dma_wait3A_199 = arith.constant 0 : i32
      %dma_wait3A_200 = tpu.memref_slice %arg3[%add3A, %dma_wait3A_198, %dma_wait3A_199] : memref<32x4x128xi32, #tpu.memory_space<hbm>> -> memref<1x4x128xi32, #tpu.memory_space<hbm>>
      %dma_wait3A_201 = tpu.memref_squeeze %dma_wait3A_200 : memref<1x4x128xi32, #tpu.memory_space<hbm>> -> memref<4x128xi32, #tpu.memory_space<hbm>>
      %dma_wait3A_202 = arith.constant 0 : i32
      %dma_wait3A_203 = arith.constant 0 : i32
      %dma_wait3A_204 = tpu.memref_slice %arg3[%add3A, %dma_wait3A_202, %dma_wait3A_203] : memref<32x4x128xi32, #tpu.memory_space<hbm>> -> memref<1x4x128xi32, #tpu.memory_space<hbm>>
      %dma_wait3A_205 = tpu.memref_squeeze %dma_wait3A_204 : memref<1x4x128xi32, #tpu.memory_space<hbm>> -> memref<4x128xi32, #tpu.memory_space<hbm>>
      tpu.wait_dma2 semaphore(%run_scoped3A : memref<!tpu.dma_semaphore, #tpu.memory_space<semaphore_mem>>) src(%dma_wait3A_205 : memref<4x128xi32, #tpu.memory_space<hbm>>) dst(%arg8 : memref<4x128xi32, #tpu.memory_space<vmem>>)
      tpu.yield
    }) : () -> ()
    %dma_start3A = arith.constant 0 : i32
    %dma_start3A_3 = arith.constant 0 : i32
    %dma_start3A_4 = arith.constant 0 : i32
    %dma_start3A_5 = tpu.memref_slice %arg9[%dma_start3A_3, %dma_start3A_4] : memref<512x32xf32, #tpu.memory_space<vmem>> -> memref<128x32xf32, #tpu.memory_space<vmem>>
    %dma_start3A_6 = arith.constant 0 : i32
    %dma_start3A_7 = tpu.memref_slice %arg7[%dma_start3A, %dma_start3A_6] : memref<4x128xi32, #tpu.memory_space<vmem>> -> memref<1x128xi32, #tpu.memory_space<vmem>>
    %dma_start3A_8 = tpu.memref_squeeze %dma_start3A_7 : memref<1x128xi32, #tpu.memory_space<vmem>> -> memref<128xi32, #tpu.memory_space<vmem>>
    %dma_start3A_9 = arith.constant 0 : i32
    %dma_start3A_10 = arith.constant 0 : i32
    %dma_start3A_11 = tpu.memref_slice %arg4[%dma_start3A_9, %dma_start3A_10] : memref<1000001x32xf32, #tpu.memory_space<hbm>> -> memref<1000001x32xf32, #tpu.memory_space<hbm>>
    tpu.enqueue_indirect_dma source(%dma_start3A_11 : memref<1000001x32xf32, #tpu.memory_space<hbm>>) target(%dma_start3A_5 : memref<128x32xf32, #tpu.memory_space<vmem>>) offsets(%dma_start3A_8 : memref<128xi32, #tpu.memory_space<vmem>>) semaphore(%arg13 : memref<!tpu.dma_semaphore, #tpu.memory_space<semaphore_mem>>)
    %dma_start3A_12 = arith.constant 0 : i32
    %dma_start3A_13 = arith.constant 0 : i32
    %dma_start3A_14 = arith.constant 0 : i32
    %dma_start3A_15 = tpu.memref_slice %arg10[%dma_start3A_13, %dma_start3A_14] : memref<512x32xf32, #tpu.memory_space<vmem>> -> memref<128x32xf32, #tpu.memory_space<vmem>>
    %dma_start3A_16 = arith.constant 0 : i32
    %dma_start3A_17 = tpu.memref_slice %arg8[%dma_start3A_12, %dma_start3A_16] : memref<4x128xi32, #tpu.memory_space<vmem>> -> memref<1x128xi32, #tpu.memory_space<vmem>>
    %dma_start3A_18 = tpu.memref_squeeze %dma_start3A_17 : memref<1x128xi32, #tpu.memory_space<vmem>> -> memref<128xi32, #tpu.memory_space<vmem>>
    %dma_start3A_19 = arith.constant 0 : i32
    %dma_start3A_20 = arith.constant 0 : i32
    %dma_start3A_21 = tpu.memref_slice %arg5[%dma_start3A_19, %dma_start3A_20] : memref<100001x32xf32, #tpu.memory_space<hbm>> -> memref<100001x32xf32, #tpu.memory_space<hbm>>
    tpu.enqueue_indirect_dma source(%dma_start3A_21 : memref<100001x32xf32, #tpu.memory_space<hbm>>) target(%dma_start3A_15 : memref<128x32xf32, #tpu.memory_space<vmem>>) offsets(%dma_start3A_18 : memref<128xi32, #tpu.memory_space<vmem>>) semaphore(%arg14 : memref<!tpu.dma_semaphore, #tpu.memory_space<semaphore_mem>>)
    %dma_start3A_22 = arith.constant 1 : i32
    %dma_start3A_23 = arith.constant 128 : i32
    %dma_start3A_24 = arith.constant 0 : i32
    %dma_start3A_25 = tpu.memref_slice %arg9[%dma_start3A_23, %dma_start3A_24] : memref<512x32xf32, #tpu.memory_space<vmem>> -> memref<128x32xf32, #tpu.memory_space<vmem>>
    %dma_start3A_26 = arith.constant 0 : i32
    %dma_start3A_27 = tpu.memref_slice %arg7[%dma_start3A_22, %dma_start3A_26] : memref<4x128xi32, #tpu.memory_space<vmem>> -> memref<1x128xi32, #tpu.memory_space<vmem>>
    %dma_start3A_28 = tpu.memref_squeeze %dma_start3A_27 : memref<1x128xi32, #tpu.memory_space<vmem>> -> memref<128xi32, #tpu.memory_space<vmem>>
    %dma_start3A_29 = arith.constant 0 : i32
    %dma_start3A_30 = arith.constant 0 : i32
    %dma_start3A_31 = tpu.memref_slice %arg4[%dma_start3A_29, %dma_start3A_30] : memref<1000001x32xf32, #tpu.memory_space<hbm>> -> memref<1000001x32xf32, #tpu.memory_space<hbm>>
    tpu.enqueue_indirect_dma source(%dma_start3A_31 : memref<1000001x32xf32, #tpu.memory_space<hbm>>) target(%dma_start3A_25 : memref<128x32xf32, #tpu.memory_space<vmem>>) offsets(%dma_start3A_28 : memref<128xi32, #tpu.memory_space<vmem>>) semaphore(%arg13 : memref<!tpu.dma_semaphore, #tpu.memory_space<semaphore_mem>>)
    %dma_start3A_32 = arith.constant 1 : i32
    %dma_start3A_33 = arith.constant 128 : i32
    %dma_start3A_34 = arith.constant 0 : i32
    %dma_start3A_35 = tpu.memref_slice %arg10[%dma_start3A_33, %dma_start3A_34] : memref<512x32xf32, #tpu.memory_space<vmem>> -> memref<128x32xf32, #tpu.memory_space<vmem>>
    %dma_start3A_36 = arith.constant 0 : i32
    %dma_start3A_37 = tpu.memref_slice %arg8[%dma_start3A_32, %dma_start3A_36] : memref<4x128xi32, #tpu.memory_space<vmem>> -> memref<1x128xi32, #tpu.memory_space<vmem>>
    %dma_start3A_38 = tpu.memref_squeeze %dma_start3A_37 : memref<1x128xi32, #tpu.memory_space<vmem>> -> memref<128xi32, #tpu.memory_space<vmem>>
    %dma_start3A_39 = arith.constant 0 : i32
    %dma_start3A_40 = arith.constant 0 : i32
    %dma_start3A_41 = tpu.memref_slice %arg5[%dma_start3A_39, %dma_start3A_40] : memref<100001x32xf32, #tpu.memory_space<hbm>> -> memref<100001x32xf32, #tpu.memory_space<hbm>>
    tpu.enqueue_indirect_dma source(%dma_start3A_41 : memref<100001x32xf32, #tpu.memory_space<hbm>>) target(%dma_start3A_35 : memref<128x32xf32, #tpu.memory_space<vmem>>) offsets(%dma_start3A_38 : memref<128xi32, #tpu.memory_space<vmem>>) semaphore(%arg14 : memref<!tpu.dma_semaphore, #tpu.memory_space<semaphore_mem>>)
    %dma_start3A_42 = arith.constant 2 : i32
    %dma_start3A_43 = arith.constant 256 : i32
    %dma_start3A_44 = arith.constant 0 : i32
    %dma_start3A_45 = tpu.memref_slice %arg9[%dma_start3A_43, %dma_start3A_44] : memref<512x32xf32, #tpu.memory_space<vmem>> -> memref<128x32xf32, #tpu.memory_space<vmem>>
    %dma_start3A_46 = arith.constant 0 : i32
    %dma_start3A_47 = tpu.memref_slice %arg7[%dma_start3A_42, %dma_start3A_46] : memref<4x128xi32, #tpu.memory_space<vmem>> -> memref<1x128xi32, #tpu.memory_space<vmem>>
    %dma_start3A_48 = tpu.memref_squeeze %dma_start3A_47 : memref<1x128xi32, #tpu.memory_space<vmem>> -> memref<128xi32, #tpu.memory_space<vmem>>
    %dma_start3A_49 = arith.constant 0 : i32
    %dma_start3A_50 = arith.constant 0 : i32
    %dma_start3A_51 = tpu.memref_slice %arg4[%dma_start3A_49, %dma_start3A_50] : memref<1000001x32xf32, #tpu.memory_space<hbm>> -> memref<1000001x32xf32, #tpu.memory_space<hbm>>
    tpu.enqueue_indirect_dma source(%dma_start3A_51 : memref<1000001x32xf32, #tpu.memory_space<hbm>>) target(%dma_start3A_45 : memref<128x32xf32, #tpu.memory_space<vmem>>) offsets(%dma_start3A_48 : memref<128xi32, #tpu.memory_space<vmem>>) semaphore(%arg13 : memref<!tpu.dma_semaphore, #tpu.memory_space<semaphore_mem>>)
    %dma_start3A_52 = arith.constant 2 : i32
    %dma_start3A_53 = arith.constant 256 : i32
    %dma_start3A_54 = arith.constant 0 : i32
    %dma_start3A_55 = tpu.memref_slice %arg10[%dma_start3A_53, %dma_start3A_54] : memref<512x32xf32, #tpu.memory_space<vmem>> -> memref<128x32xf32, #tpu.memory_space<vmem>>
    %dma_start3A_56 = arith.constant 0 : i32
    %dma_start3A_57 = tpu.memref_slice %arg8[%dma_start3A_52, %dma_start3A_56] : memref<4x128xi32, #tpu.memory_space<vmem>> -> memref<1x128xi32, #tpu.memory_space<vmem>>
    %dma_start3A_58 = tpu.memref_squeeze %dma_start3A_57 : memref<1x128xi32, #tpu.memory_space<vmem>> -> memref<128xi32, #tpu.memory_space<vmem>>
    %dma_start3A_59 = arith.constant 0 : i32
    %dma_start3A_60 = arith.constant 0 : i32
    %dma_start3A_61 = tpu.memref_slice %arg5[%dma_start3A_59, %dma_start3A_60] : memref<100001x32xf32, #tpu.memory_space<hbm>> -> memref<100001x32xf32, #tpu.memory_space<hbm>>
    tpu.enqueue_indirect_dma source(%dma_start3A_61 : memref<100001x32xf32, #tpu.memory_space<hbm>>) target(%dma_start3A_55 : memref<128x32xf32, #tpu.memory_space<vmem>>) offsets(%dma_start3A_58 : memref<128xi32, #tpu.memory_space<vmem>>) semaphore(%arg14 : memref<!tpu.dma_semaphore, #tpu.memory_space<semaphore_mem>>)
    %dma_start3A_62 = arith.constant 3 : i32
    %dma_start3A_63 = arith.constant 384 : i32
    %dma_start3A_64 = arith.constant 0 : i32
    %dma_start3A_65 = tpu.memref_slice %arg9[%dma_start3A_63, %dma_start3A_64] : memref<512x32xf32, #tpu.memory_space<vmem>> -> memref<128x32xf32, #tpu.memory_space<vmem>>
    %dma_start3A_66 = arith.constant 0 : i32
    %dma_start3A_67 = tpu.memref_slice %arg7[%dma_start3A_62, %dma_start3A_66] : memref<4x128xi32, #tpu.memory_space<vmem>> -> memref<1x128xi32, #tpu.memory_space<vmem>>
    %dma_start3A_68 = tpu.memref_squeeze %dma_start3A_67 : memref<1x128xi32, #tpu.memory_space<vmem>> -> memref<128xi32, #tpu.memory_space<vmem>>
    %dma_start3A_69 = arith.constant 0 : i32
    %dma_start3A_70 = arith.constant 0 : i32
    %dma_start3A_71 = tpu.memref_slice %arg4[%dma_start3A_69, %dma_start3A_70] : memref<1000001x32xf32, #tpu.memory_space<hbm>> -> memref<1000001x32xf32, #tpu.memory_space<hbm>>
    tpu.enqueue_indirect_dma source(%dma_start3A_71 : memref<1000001x32xf32, #tpu.memory_space<hbm>>) target(%dma_start3A_65 : memref<128x32xf32, #tpu.memory_space<vmem>>) offsets(%dma_start3A_68 : memref<128xi32, #tpu.memory_space<vmem>>) semaphore(%arg13 : memref<!tpu.dma_semaphore, #tpu.memory_space<semaphore_mem>>)
    %dma_start3A_72 = arith.constant 3 : i32
    %dma_start3A_73 = arith.constant 384 : i32
    %dma_start3A_74 = arith.constant 0 : i32
    %dma_start3A_75 = tpu.memref_slice %arg10[%dma_start3A_73, %dma_start3A_74] : memref<512x32xf32, #tpu.memory_space<vmem>> -> memref<128x32xf32, #tpu.memory_space<vmem>>
    %dma_start3A_76 = arith.constant 0 : i32
    %dma_start3A_77 = tpu.memref_slice %arg8[%dma_start3A_72, %dma_start3A_76] : memref<4x128xi32, #tpu.memory_space<vmem>> -> memref<1x128xi32, #tpu.memory_space<vmem>>
    %dma_start3A_78 = tpu.memref_squeeze %dma_start3A_77 : memref<1x128xi32, #tpu.memory_space<vmem>> -> memref<128xi32, #tpu.memory_space<vmem>>
    %dma_start3A_79 = arith.constant 0 : i32
    %dma_start3A_80 = arith.constant 0 : i32
    %dma_start3A_81 = tpu.memref_slice %arg5[%dma_start3A_79, %dma_start3A_80] : memref<100001x32xf32, #tpu.memory_space<hbm>> -> memref<100001x32xf32, #tpu.memory_space<hbm>>
    tpu.enqueue_indirect_dma source(%dma_start3A_81 : memref<100001x32xf32, #tpu.memory_space<hbm>>) target(%dma_start3A_75 : memref<128x32xf32, #tpu.memory_space<vmem>>) offsets(%dma_start3A_78 : memref<128xi32, #tpu.memory_space<vmem>>) semaphore(%arg14 : memref<!tpu.dma_semaphore, #tpu.memory_space<semaphore_mem>>)
    %dma_wait3A = arith.constant 0 : i32
    %dma_wait3A_82 = arith.constant 0 : i32
    %dma_wait3A_83 = arith.constant 0 : i32
    %dma_wait3A_84 = tpu.memref_slice %arg9[%dma_wait3A_82, %dma_wait3A_83] : memref<512x32xf32, #tpu.memory_space<vmem>> -> memref<128x32xf32, #tpu.memory_space<vmem>>
    %dma_wait3A_85 = arith.constant 0 : i32
    %dma_wait3A_86 = tpu.memref_slice %arg7[%dma_wait3A, %dma_wait3A_85] : memref<4x128xi32, #tpu.memory_space<vmem>> -> memref<1x128xi32, #tpu.memory_space<vmem>>
    %dma_wait3A_87 = tpu.memref_squeeze %dma_wait3A_86 : memref<1x128xi32, #tpu.memory_space<vmem>> -> memref<128xi32, #tpu.memory_space<vmem>>
    %dma_wait3A_88 = arith.constant 0 : i32
    %dma_wait3A_89 = arith.constant 0 : i32
    %dma_wait3A_90 = tpu.memref_slice %arg4[%dma_wait3A_88, %dma_wait3A_89] : memref<1000001x32xf32, #tpu.memory_space<hbm>> -> memref<1000001x32xf32, #tpu.memory_space<hbm>>
    tpu.wait_indirect_dma semaphore(%arg13 : memref<!tpu.dma_semaphore, #tpu.memory_space<semaphore_mem>>) src(%dma_wait3A_90 : memref<1000001x32xf32, #tpu.memory_space<hbm>>) dst(%dma_wait3A_84 : memref<128x32xf32, #tpu.memory_space<vmem>>)
    %dma_wait3A_91 = arith.constant 0 : i32
    %dma_wait3A_92 = arith.constant 0 : i32
    %dma_wait3A_93 = arith.constant 0 : i32
    %dma_wait3A_94 = tpu.memref_slice %arg10[%dma_wait3A_92, %dma_wait3A_93] : memref<512x32xf32, #tpu.memory_space<vmem>> -> memref<128x32xf32, #tpu.memory_space<vmem>>
    %dma_wait3A_95 = arith.constant 0 : i32
    %dma_wait3A_96 = tpu.memref_slice %arg8[%dma_wait3A_91, %dma_wait3A_95] : memref<4x128xi32, #tpu.memory_space<vmem>> -> memref<1x128xi32, #tpu.memory_space<vmem>>
    %dma_wait3A_97 = tpu.memref_squeeze %dma_wait3A_96 : memref<1x128xi32, #tpu.memory_space<vmem>> -> memref<128xi32, #tpu.memory_space<vmem>>
    %dma_wait3A_98 = arith.constant 0 : i32
    %dma_wait3A_99 = arith.constant 0 : i32
    %dma_wait3A_100 = tpu.memref_slice %arg5[%dma_wait3A_98, %dma_wait3A_99] : memref<100001x32xf32, #tpu.memory_space<hbm>> -> memref<100001x32xf32, #tpu.memory_space<hbm>>
    tpu.wait_indirect_dma semaphore(%arg14 : memref<!tpu.dma_semaphore, #tpu.memory_space<semaphore_mem>>) src(%dma_wait3A_100 : memref<100001x32xf32, #tpu.memory_space<hbm>>) dst(%dma_wait3A_94 : memref<128x32xf32, #tpu.memory_space<vmem>>)
    %scan3A = arith.constant 0 : i32
    %scan3A_101 = arith.constant 0 : i32
    %scan3A_102 = arith.constant 128 : i32
    %scan3A_103 = arith.addi %scan3A_101, %scan3A_102 : i32
    %scan3A_104 = arith.constant 8 : i32
    scf.for %scan3A_190 = %scan3A_101 to %scan3A_103 step %scan3A_104  : i32 {
      %get3A = arith.index_cast %scan3A_190 : i32 to index
      %get3A_191 = arith.constant 0 : index
      %get3A_192 = tpu.vector_load %arg9[%get3A, %get3A_191] {strides = array<i32>} : memref<512x32xf32, #tpu.memory_space<vmem>>, vector<16xf32>,
      %get3A_193 = arith.index_cast %scan3A_190 : i32 to index
      %get3A_194 = arith.constant 16 : index
      %get3A_195 = tpu.vector_load %arg9[%get3A_193, %get3A_194] {strides = array<i32>} : memref<512x32xf32, #tpu.memory_space<vmem>>, vector<16xf32>,
      %get3A_196 = arith.index_cast %scan3A_190 : i32 to index
      %get3A_197 = arith.constant 0 : index
      %get3A_198 = tpu.vector_load %arg10[%get3A_196, %get3A_197] {strides = array<i32>} : memref<512x32xf32, #tpu.memory_space<vmem>>, vector<16xf32>,
      %get3A_199 = arith.index_cast %scan3A_190 : i32 to index
      %get3A_200 = arith.constant 16 : index
      %get3A_201 = tpu.vector_load %arg10[%get3A_199, %get3A_200] {strides = array<i32>} : memref<512x32xf32, #tpu.memory_space<vmem>>, vector<16xf32>,
      %mul3A_202 = arith.mulf %get3A_192, %get3A_198 : vector<16xf32>
      %mul3A_203 = arith.mulf %get3A_195, %get3A_201 : vector<16xf32>
      %add3A_204 = arith.addf %mul3A_202, %mul3A_203 : vector<16xf32>
      %mul3A_205 = arith.constant 16 : i32
      %mul3A_206 = arith.muli %scan3A_190, %mul3A_205 : i32
      %swap3A = arith.index_cast %mul3A_206 : i32 to index
      %swap3A_207 = tpu.vector_load %arg11[%swap3A] {strides = array<i32>} : memref<8192xf32, #tpu.memory_space<vmem>>, vector<16xf32>,
      tpu.vector_store %arg11[%swap3A], %add3A_204 {strides = array<i32>} : memref<8192xf32, #tpu.memory_space<vmem>>, vector<16xf32>,
      %scan3A_208 = arith.constant 1 : i32
      %scan3A_209 = arith.addi %scan3A_190, %scan3A_208 : i32
      %get3A_210 = arith.index_cast %scan3A_209 : i32 to index
      %get3A_211 = arith.constant 0 : index
      %get3A_212 = tpu.vector_load %arg9[%get3A_210, %get3A_211] {strides = array<i32>} : memref<512x32xf32, #tpu.memory_space<vmem>>, vector<16xf32>,
      %get3A_213 = arith.index_cast %scan3A_209 : i32 to index
      %get3A_214 = arith.constant 16 : index
      %get3A_215 = tpu.vector_load %arg9[%get3A_213, %get3A_214] {strides = array<i32>} : memref<512x32xf32, #tpu.memory_space<vmem>>, vector<16xf32>,
      %get3A_216 = arith.index_cast %scan3A_209 : i32 to index
      %get3A_217 = arith.constant 0 : index
      %get3A_218 = tpu.vector_load %arg10[%get3A_216, %get3A_217] {strides = array<i32>} : memref<512x32xf32, #tpu.memory_space<vmem>>, vector<16xf32>,
      %get3A_219 = arith.index_cast %scan3A_209 : i32 to index
      %get3A_220 = arith.constant 16 : index
      %get3A_221 = tpu.vector_load %arg10[%get3A_219, %get3A_220] {strides = array<i32>} : memref<512x32xf32, #tpu.memory_space<vmem>>, vector<16xf32>,
      %mul3A_222 = arith.mulf %get3A_212, %get3A_218 : vector<16xf32>
      %mul3A_223 = arith.mulf %get3A_215, %get3A_221 : vector<16xf32>
      %add3A_224 = arith.addf %mul3A_222, %mul3A_223 : vector<16xf32>
      %mul3A_225 = arith.constant 16 : i32
      %mul3A_226 = arith.muli %scan3A_209, %mul3A_225 : i32
      %swap3A_227 = arith.index_cast %mul3A_226 : i32 to index
      %swap3A_228 = tpu.vector_load %arg11[%swap3A_227] {strides = array<i32>} : memref<8192xf32, #tpu.memory_space<vmem>>, vector<16xf32>,
      tpu.vector_store %arg11[%swap3A_227], %add3A_224 {strides = array<i32>} : memref<8192xf32, #tpu.memory_space<vmem>>, vector<16xf32>,
      %scan3A_229 = arith.constant 2 : i32
      %scan3A_230 = arith.addi %scan3A_190, %scan3A_229 : i32
      %get3A_231 = arith.index_cast %scan3A_230 : i32 to index
      %get3A_232 = arith.constant 0 : index
      %get3A_233 = tpu.vector_load %arg9[%get3A_231, %get3A_232] {strides = array<i32>} : memref<512x32xf32, #tpu.memory_space<vmem>>, vector<16xf32>,
      %get3A_234 = arith.index_cast %scan3A_230 : i32 to index
      %get3A_235 = arith.constant 16 : index
      %get3A_236 = tpu.vector_load %arg9[%get3A_234, %get3A_235] {strides = array<i32>} : memref<512x32xf32, #tpu.memory_space<vmem>>, vector<16xf32>,
      %get3A_237 = arith.index_cast %scan3A_230 : i32 to index
      %get3A_238 = arith.constant 0 : index
      %get3A_239 = tpu.vector_load %arg10[%get3A_237, %get3A_238] {strides = array<i32>} : memref<512x32xf32, #tpu.memory_space<vmem>>, vector<16xf32>,
      %get3A_240 = arith.index_cast %scan3A_230 : i32 to index
      %get3A_241 = arith.constant 16 : index
      %get3A_242 = tpu.vector_load %arg10[%get3A_240, %get3A_241] {strides = array<i32>} : memref<512x32xf32, #tpu.memory_space<vmem>>, vector<16xf32>,
      %mul3A_243 = arith.mulf %get3A_233, %get3A_239 : vector<16xf32>
      %mul3A_244 = arith.mulf %get3A_236, %get3A_242 : vector<16xf32>
      %add3A_245 = arith.addf %mul3A_243, %mul3A_244 : vector<16xf32>
      %mul3A_246 = arith.constant 16 : i32
      %mul3A_247 = arith.muli %scan3A_230, %mul3A_246 : i32
      %swap3A_248 = arith.index_cast %mul3A_247 : i32 to index
      %swap3A_249 = tpu.vector_load %arg11[%swap3A_248] {strides = array<i32>} : memref<8192xf32, #tpu.memory_space<vmem>>, vector<16xf32>,
      tpu.vector_store %arg11[%swap3A_248], %add3A_245 {strides = array<i32>} : memref<8192xf32, #tpu.memory_space<vmem>>, vector<16xf32>,
      %scan3A_250 = arith.constant 3 : i32
      %scan3A_251 = arith.addi %scan3A_190, %scan3A_250 : i32
      %get3A_252 = arith.index_cast %scan3A_251 : i32 to index
      %get3A_253 = arith.constant 0 : index
      %get3A_254 = tpu.vector_load %arg9[%get3A_252, %get3A_253] {strides = array<i32>} : memref<512x32xf32, #tpu.memory_space<vmem>>, vector<16xf32>,
      %get3A_255 = arith.index_cast %scan3A_251 : i32 to index
      %get3A_256 = arith.constant 16 : index
      %get3A_257 = tpu.vector_load %arg9[%get3A_255, %get3A_256] {strides = array<i32>} : memref<512x32xf32, #tpu.memory_space<vmem>>, vector<16xf32>,
      %get3A_258 = arith.index_cast %scan3A_251 : i32 to index
      %get3A_259 = arith.constant 0 : index
      %get3A_260 = tpu.vector_load %arg10[%get3A_258, %get3A_259] {strides = array<i32>} : memref<512x32xf32, #tpu.memory_space<vmem>>, vector<16xf32>,
      %get3A_261 = arith.index_cast %scan3A_251 : i32 to index
      %get3A_262 = arith.constant 16 : index
      %get3A_263 = tpu.vector_load %arg10[%get3A_261, %get3A_262] {strides = array<i32>} : memref<512x32xf32, #tpu.memory_space<vmem>>, vector<16xf32>,
      %mul3A_264 = arith.mulf %get3A_254, %get3A_260 : vector<16xf32>
      %mul3A_265 = arith.mulf %get3A_257, %get3A_263 : vector<16xf32>
      %add3A_266 = arith.addf %mul3A_264, %mul3A_265 : vector<16xf32>
      %mul3A_267 = arith.constant 16 : i32
      %mul3A_268 = arith.muli %scan3A_251, %mul3A_267 : i32
      %swap3A_269 = arith.index_cast %mul3A_268 : i32 to index
      %swap3A_270 = tpu.vector_load %arg11[%swap3A_269] {strides = array<i32>} : memref<8192xf32, #tpu.memory_space<vmem>>, vector<16xf32>,
      tpu.vector_store %arg11[%swap3A_269], %add3A_266 {strides = array<i32>} : memref<8192xf32, #tpu.memory_space<vmem>>, vector<16xf32>,
      %scan3A_271 = arith.constant 4 : i32
      %scan3A_272 = arith.addi %scan3A_190, %scan3A_271 : i32
      %get3A_273 = arith.index_cast %scan3A_272 : i32 to index
      %get3A_274 = arith.constant 0 : index
      %get3A_275 = tpu.vector_load %arg9[%get3A_273, %get3A_274] {strides = array<i32>} : memref<512x32xf32, #tpu.memory_space<vmem>>, vector<16xf32>,
      %get3A_276 = arith.index_cast %scan3A_272 : i32 to index
      %get3A_277 = arith.constant 16 : index
      %get3A_278 = tpu.vector_load %arg9[%get3A_276, %get3A_277] {strides = array<i32>} : memref<512x32xf32, #tpu.memory_space<vmem>>, vector<16xf32>,
      %get3A_279 = arith.index_cast %scan3A_272 : i32 to index
      %get3A_280 = arith.constant 0 : index
      %get3A_281 = tpu.vector_load %arg10[%get3A_279, %get3A_280] {strides = array<i32>} : memref<512x32xf32, #tpu.memory_space<vmem>>, vector<16xf32>,
      %get3A_282 = arith.index_cast %scan3A_272 : i32 to index
      %get3A_283 = arith.constant 16 : index
      %get3A_284 = tpu.vector_load %arg10[%get3A_282, %get3A_283] {strides = array<i32>} : memref<512x32xf32, #tpu.memory_space<vmem>>, vector<16xf32>,
      %mul3A_285 = arith.mulf %get3A_275, %get3A_281 : vector<16xf32>
      %mul3A_286 = arith.mulf %get3A_278, %get3A_284 : vector<16xf32>
      %add3A_287 = arith.addf %mul3A_285, %mul3A_286 : vector<16xf32>
      %mul3A_288 = arith.constant 16 : i32
      %mul3A_289 = arith.muli %scan3A_272, %mul3A_288 : i32
      %swap3A_290 = arith.index_cast %mul3A_289 : i32 to index
      %swap3A_291 = tpu.vector_load %arg11[%swap3A_290] {strides = array<i32>} : memref<8192xf32, #tpu.memory_space<vmem>>, vector<16xf32>,
      tpu.vector_store %arg11[%swap3A_290], %add3A_287 {strides = array<i32>} : memref<8192xf32, #tpu.memory_space<vmem>>, vector<16xf32>,
      %scan3A_292 = arith.constant 5 : i32
      %scan3A_293 = arith.addi %scan3A_190, %scan3A_292 : i32
      %get3A_294 = arith.index_cast %scan3A_293 : i32 to index
      %get3A_295 = arith.constant 0 : index
      %get3A_296 = tpu.vector_load %arg9[%get3A_294, %get3A_295] {strides = array<i32>} : memref<512x32xf32, #tpu.memory_space<vmem>>, vector<16xf32>,
      %get3A_297 = arith.index_cast %scan3A_293 : i32 to index
      %get3A_298 = arith.constant 16 : index
      %get3A_299 = tpu.vector_load %arg9[%get3A_297, %get3A_298] {strides = array<i32>} : memref<512x32xf32, #tpu.memory_space<vmem>>, vector<16xf32>,
      %get3A_300 = arith.index_cast %scan3A_293 : i32 to index
      %get3A_301 = arith.constant 0 : index
      %get3A_302 = tpu.vector_load %arg10[%get3A_300, %get3A_301] {strides = array<i32>} : memref<512x32xf32, #tpu.memory_space<vmem>>, vector<16xf32>,
      %get3A_303 = arith.index_cast %scan3A_293 : i32 to index
      %get3A_304 = arith.constant 16 : index
      %get3A_305 = tpu.vector_load %arg10[%get3A_303, %get3A_304] {strides = array<i32>} : memref<512x32xf32, #tpu.memory_space<vmem>>, vector<16xf32>,
      %mul3A_306 = arith.mulf %get3A_296, %get3A_302 : vector<16xf32>
      %mul3A_307 = arith.mulf %get3A_299, %get3A_305 : vector<16xf32>
      %add3A_308 = arith.addf %mul3A_306, %mul3A_307 : vector<16xf32>
      %mul3A_309 = arith.constant 16 : i32
      %mul3A_310 = arith.muli %scan3A_293, %mul3A_309 : i32
      %swap3A_311 = arith.index_cast %mul3A_310 : i32 to index
      %swap3A_312 = tpu.vector_load %arg11[%swap3A_311] {strides = array<i32>} : memref<8192xf32, #tpu.memory_space<vmem>>, vector<16xf32>,
      tpu.vector_store %arg11[%swap3A_311], %add3A_308 {strides = array<i32>} : memref<8192xf32, #tpu.memory_space<vmem>>, vector<16xf32>,
      %scan3A_313 = arith.constant 6 : i32
      %scan3A_314 = arith.addi %scan3A_190, %scan3A_313 : i32
      %get3A_315 = arith.index_cast %scan3A_314 : i32 to index
      %get3A_316 = arith.constant 0 : index
      %get3A_317 = tpu.vector_load %arg9[%get3A_315, %get3A_316] {strides = array<i32>} : memref<512x32xf32, #tpu.memory_space<vmem>>, vector<16xf32>,
      %get3A_318 = arith.index_cast %scan3A_314 : i32 to index
      %get3A_319 = arith.constant 16 : index
      %get3A_320 = tpu.vector_load %arg9[%get3A_318, %get3A_319] {strides = array<i32>} : memref<512x32xf32, #tpu.memory_space<vmem>>, vector<16xf32>,
      %get3A_321 = arith.index_cast %scan3A_314 : i32 to index
      %get3A_322 = arith.constant 0 : index
      %get3A_323 = tpu.vector_load %arg10[%get3A_321, %get3A_322] {strides = array<i32>} : memref<512x32xf32, #tpu.memory_space<vmem>>, vector<16xf32>,
      %get3A_324 = arith.index_cast %scan3A_314 : i32 to index
      %get3A_325 = arith.constant 16 : index
      %get3A_326 = tpu.vector_load %arg10[%get3A_324, %get3A_325] {strides = array<i32>} : memref<512x32xf32, #tpu.memory_space<vmem>>, vector<16xf32>,
      %mul3A_327 = arith.mulf %get3A_317, %get3A_323 : vector<16xf32>
      %mul3A_328 = arith.mulf %get3A_320, %get3A_326 : vector<16xf32>
      %add3A_329 = arith.addf %mul3A_327, %mul3A_328 : vector<16xf32>
      %mul3A_330 = arith.constant 16 : i32
      %mul3A_331 = arith.muli %scan3A_314, %mul3A_330 : i32
      %swap3A_332 = arith.index_cast %mul3A_331 : i32 to index
      %swap3A_333 = tpu.vector_load %arg11[%swap3A_332] {strides = array<i32>} : memref<8192xf32, #tpu.memory_space<vmem>>, vector<16xf32>,
      tpu.vector_store %arg11[%swap3A_332], %add3A_329 {strides = array<i32>} : memref<8192xf32, #tpu.memory_space<vmem>>, vector<16xf32>,
      %scan3A_334 = arith.constant 7 : i32
      %scan3A_335 = arith.addi %scan3A_190, %scan3A_334 : i32
      %get3A_336 = arith.index_cast %scan3A_335 : i32 to index
      %get3A_337 = arith.constant 0 : index
      %get3A_338 = tpu.vector_load %arg9[%get3A_336, %get3A_337] {strides = array<i32>} : memref<512x32xf32, #tpu.memory_space<vmem>>, vector<16xf32>,
      %get3A_339 = arith.index_cast %scan3A_335 : i32 to index
      %get3A_340 = arith.constant 16 : index
      %get3A_341 = tpu.vector_load %arg9[%get3A_339, %get3A_340] {strides = array<i32>} : memref<512x32xf32, #tpu.memory_space<vmem>>, vector<16xf32>,
      %get3A_342 = arith.index_cast %scan3A_335 : i32 to index
      %get3A_343 = arith.constant 0 : index
      %get3A_344 = tpu.vector_load %arg10[%get3A_342, %get3A_343] {strides = array<i32>} : memref<512x32xf32, #tpu.memory_space<vmem>>, vector<16xf32>,
      %get3A_345 = arith.index_cast %scan3A_335 : i32 to index
      %get3A_346 = arith.constant 16 : index
      %get3A_347 = tpu.vector_load %arg10[%get3A_345, %get3A_346] {strides = array<i32>} : memref<512x32xf32, #tpu.memory_space<vmem>>, vector<16xf32>,
      %mul3A_348 = arith.mulf %get3A_338, %get3A_344 : vector<16xf32>
      %mul3A_349 = arith.mulf %get3A_341, %get3A_347 : vector<16xf32>
      %add3A_350 = arith.addf %mul3A_348, %mul3A_349 : vector<16xf32>
      %mul3A_351 = arith.constant 16 : i32
      %mul3A_352 = arith.muli %scan3A_335, %mul3A_351 : i32
      %swap3A_353 = arith.index_cast %mul3A_352 : i32 to index
      %swap3A_354 = tpu.vector_load %arg11[%swap3A_353] {strides = array<i32>} : memref<8192xf32, #tpu.memory_space<vmem>>, vector<16xf32>,
      tpu.vector_store %arg11[%swap3A_353], %add3A_350 {strides = array<i32>} : memref<8192xf32, #tpu.memory_space<vmem>>, vector<16xf32>,
    }
    %scan3A_105 = arith.constant 128 : i32
    %dma_wait3A_106 = arith.constant 1 : i32
    %dma_wait3A_107 = arith.constant 128 : i32
    %dma_wait3A_108 = arith.constant 0 : i32
    %dma_wait3A_109 = tpu.memref_slice %arg9[%dma_wait3A_107, %dma_wait3A_108] : memref<512x32xf32, #tpu.memory_space<vmem>> -> memref<128x32xf32, #tpu.memory_space<vmem>>
    %dma_wait3A_110 = arith.constant 0 : i32
    %dma_wait3A_111 = tpu.memref_slice %arg7[%dma_wait3A_106, %dma_wait3A_110] : memref<4x128xi32, #tpu.memory_space<vmem>> -> memref<1x128xi32, #tpu.memory_space<vmem>>
    %dma_wait3A_112 = tpu.memref_squeeze %dma_wait3A_111 : memref<1x128xi32, #tpu.memory_space<vmem>> -> memref<128xi32, #tpu.memory_space<vmem>>
    %dma_wait3A_113 = arith.constant 0 : i32
    %dma_wait3A_114 = arith.constant 0 : i32
    %dma_wait3A_115 = tpu.memref_slice %arg4[%dma_wait3A_113, %dma_wait3A_114] : memref<1000001x32xf32, #tpu.memory_space<hbm>> -> memref<1000001x32xf32, #tpu.memory_space<hbm>>
    tpu.wait_indirect_dma semaphore(%arg13 : memref<!tpu.dma_semaphore, #tpu.memory_space<semaphore_mem>>) src(%dma_wait3A_115 : memref<1000001x32xf32, #tpu.memory_space<hbm>>) dst(%dma_wait3A_109 : memref<128x32xf32, #tpu.memory_space<vmem>>)
    %dma_wait3A_116 = arith.constant 1 : i32
    %dma_wait3A_117 = arith.constant 128 : i32
    %dma_wait3A_118 = arith.constant 0 : i32
    %dma_wait3A_119 = tpu.memref_slice %arg10[%dma_wait3A_117, %dma_wait3A_118] : memref<512x32xf32, #tpu.memory_space<vmem>> -> memref<128x32xf32, #tpu.memory_space<vmem>>
    %dma_wait3A_120 = arith.constant 0 : i32
    %dma_wait3A_121 = tpu.memref_slice %arg8[%dma_wait3A_116, %dma_wait3A_120] : memref<4x128xi32, #tpu.memory_space<vmem>> -> memref<1x128xi32, #tpu.memory_space<vmem>>
    %dma_wait3A_122 = tpu.memref_squeeze %dma_wait3A_121 : memref<1x128xi32, #tpu.memory_space<vmem>> -> memref<128xi32, #tpu.memory_space<vmem>>
    %dma_wait3A_123 = arith.constant 0 : i32
    %dma_wait3A_124 = arith.constant 0 : i32
    %dma_wait3A_125 = tpu.memref_slice %arg5[%dma_wait3A_123, %dma_wait3A_124] : memref<100001x32xf32, #tpu.memory_space<hbm>> -> memref<100001x32xf32, #tpu.memory_space<hbm>>
    tpu.wait_indirect_dma semaphore(%arg14 : memref<!tpu.dma_semaphore, #tpu.memory_space<semaphore_mem>>) src(%dma_wait3A_125 : memref<100001x32xf32, #tpu.memory_space<hbm>>) dst(%dma_wait3A_119 : memref<128x32xf32, #tpu.memory_space<vmem>>)
    %scan3A_126 = arith.constant 0 : i32
    %scan3A_127 = arith.constant 128 : i32
    %scan3A_128 = arith.constant 128 : i32
    %scan3A_129 = arith.addi %scan3A_127, %scan3A_128 : i32
    %scan3A_130 = arith.constant 8 : i32
    scf.for %scan3A_190 = %scan3A_127 to %scan3A_129 step %scan3A_130  : i32 {
      %get3A = arith.index_cast %scan3A_190 : i32 to index
      %get3A_191 = arith.constant 0 : index
      %get3A_192 = tpu.vector_load %arg9[%get3A, %get3A_191] {strides = array<i32>} : memref<512x32xf32, #tpu.memory_space<vmem>>, vector<16xf32>,
      %get3A_193 = arith.index_cast %scan3A_190 : i32 to index
      %get3A_194 = arith.constant 16 : index
      %get3A_195 = tpu.vector_load %arg9[%get3A_193, %get3A_194] {strides = array<i32>} : memref<512x32xf32, #tpu.memory_space<vmem>>, vector<16xf32>,
      %get3A_196 = arith.index_cast %scan3A_190 : i32 to index
      %get3A_197 = arith.constant 0 : index
      %get3A_198 = tpu.vector_load %arg10[%get3A_196, %get3A_197] {strides = array<i32>} : memref<512x32xf32, #tpu.memory_space<vmem>>, vector<16xf32>,
      %get3A_199 = arith.index_cast %scan3A_190 : i32 to index
      %get3A_200 = arith.constant 16 : index
      %get3A_201 = tpu.vector_load %arg10[%get3A_199, %get3A_200] {strides = array<i32>} : memref<512x32xf32, #tpu.memory_space<vmem>>, vector<16xf32>,
      %mul3A_202 = arith.mulf %get3A_192, %get3A_198 : vector<16xf32>
      %mul3A_203 = arith.mulf %get3A_195, %get3A_201 : vector<16xf32>
      %add3A_204 = arith.addf %mul3A_202, %mul3A_203 : vector<16xf32>
      %mul3A_205 = arith.constant 16 : i32
      %mul3A_206 = arith.muli %scan3A_190, %mul3A_205 : i32
      %swap3A = arith.index_cast %mul3A_206 : i32 to index
      %swap3A_207 = tpu.vector_load %arg11[%swap3A] {strides = array<i32>} : memref<8192xf32, #tpu.memory_space<vmem>>, vector<16xf32>,
      tpu.vector_store %arg11[%swap3A], %add3A_204 {strides = array<i32>} : memref<8192xf32, #tpu.memory_space<vmem>>, vector<16xf32>,
      %scan3A_208 = arith.constant 1 : i32
      %scan3A_209 = arith.addi %scan3A_190, %scan3A_208 : i32
      %get3A_210 = arith.index_cast %scan3A_209 : i32 to index
      %get3A_211 = arith.constant 0 : index
      %get3A_212 = tpu.vector_load %arg9[%get3A_210, %get3A_211] {strides = array<i32>} : memref<512x32xf32, #tpu.memory_space<vmem>>, vector<16xf32>,
      %get3A_213 = arith.index_cast %scan3A_209 : i32 to index
      %get3A_214 = arith.constant 16 : index
      %get3A_215 = tpu.vector_load %arg9[%get3A_213, %get3A_214] {strides = array<i32>} : memref<512x32xf32, #tpu.memory_space<vmem>>, vector<16xf32>,
      %get3A_216 = arith.index_cast %scan3A_209 : i32 to index
      %get3A_217 = arith.constant 0 : index
      %get3A_218 = tpu.vector_load %arg10[%get3A_216, %get3A_217] {strides = array<i32>} : memref<512x32xf32, #tpu.memory_space<vmem>>, vector<16xf32>,
      %get3A_219 = arith.index_cast %scan3A_209 : i32 to index
      %get3A_220 = arith.constant 16 : index
      %get3A_221 = tpu.vector_load %arg10[%get3A_219, %get3A_220] {strides = array<i32>} : memref<512x32xf32, #tpu.memory_space<vmem>>, vector<16xf32>,
      %mul3A_222 = arith.mulf %get3A_212, %get3A_218 : vector<16xf32>
      %mul3A_223 = arith.mulf %get3A_215, %get3A_221 : vector<16xf32>
      %add3A_224 = arith.addf %mul3A_222, %mul3A_223 : vector<16xf32>
      %mul3A_225 = arith.constant 16 : i32
      %mul3A_226 = arith.muli %scan3A_209, %mul3A_225 : i32
      %swap3A_227 = arith.index_cast %mul3A_226 : i32 to index
      %swap3A_228 = tpu.vector_load %arg11[%swap3A_227] {strides = array<i32>} : memref<8192xf32, #tpu.memory_space<vmem>>, vector<16xf32>,
      tpu.vector_store %arg11[%swap3A_227], %add3A_224 {strides = array<i32>} : memref<8192xf32, #tpu.memory_space<vmem>>, vector<16xf32>,
      %scan3A_229 = arith.constant 2 : i32
      %scan3A_230 = arith.addi %scan3A_190, %scan3A_229 : i32
      %get3A_231 = arith.index_cast %scan3A_230 : i32 to index
      %get3A_232 = arith.constant 0 : index
      %get3A_233 = tpu.vector_load %arg9[%get3A_231, %get3A_232] {strides = array<i32>} : memref<512x32xf32, #tpu.memory_space<vmem>>, vector<16xf32>,
      %get3A_234 = arith.index_cast %scan3A_230 : i32 to index
      %get3A_235 = arith.constant 16 : index
      %get3A_236 = tpu.vector_load %arg9[%get3A_234, %get3A_235] {strides = array<i32>} : memref<512x32xf32, #tpu.memory_space<vmem>>, vector<16xf32>,
      %get3A_237 = arith.index_cast %scan3A_230 : i32 to index
      %get3A_238 = arith.constant 0 : index
      %get3A_239 = tpu.vector_load %arg10[%get3A_237, %get3A_238] {strides = array<i32>} : memref<512x32xf32, #tpu.memory_space<vmem>>, vector<16xf32>,
      %get3A_240 = arith.index_cast %scan3A_230 : i32 to index
      %get3A_241 = arith.constant 16 : index
      %get3A_242 = tpu.vector_load %arg10[%get3A_240, %get3A_241] {strides = array<i32>} : memref<512x32xf32, #tpu.memory_space<vmem>>, vector<16xf32>,
      %mul3A_243 = arith.mulf %get3A_233, %get3A_239 : vector<16xf32>
      %mul3A_244 = arith.mulf %get3A_236, %get3A_242 : vector<16xf32>
      %add3A_245 = arith.addf %mul3A_243, %mul3A_244 : vector<16xf32>
      %mul3A_246 = arith.constant 16 : i32
      %mul3A_247 = arith.muli %scan3A_230, %mul3A_246 : i32
      %swap3A_248 = arith.index_cast %mul3A_247 : i32 to index
      %swap3A_249 = tpu.vector_load %arg11[%swap3A_248] {strides = array<i32>} : memref<8192xf32, #tpu.memory_space<vmem>>, vector<16xf32>,
      tpu.vector_store %arg11[%swap3A_248], %add3A_245 {strides = array<i32>} : memref<8192xf32, #tpu.memory_space<vmem>>, vector<16xf32>,
      %scan3A_250 = arith.constant 3 : i32
      %scan3A_251 = arith.addi %scan3A_190, %scan3A_250 : i32
      %get3A_252 = arith.index_cast %scan3A_251 : i32 to index
      %get3A_253 = arith.constant 0 : index
      %get3A_254 = tpu.vector_load %arg9[%get3A_252, %get3A_253] {strides = array<i32>} : memref<512x32xf32, #tpu.memory_space<vmem>>, vector<16xf32>,
      %get3A_255 = arith.index_cast %scan3A_251 : i32 to index
      %get3A_256 = arith.constant 16 : index
      %get3A_257 = tpu.vector_load %arg9[%get3A_255, %get3A_256] {strides = array<i32>} : memref<512x32xf32, #tpu.memory_space<vmem>>, vector<16xf32>,
      %get3A_258 = arith.index_cast %scan3A_251 : i32 to index
      %get3A_259 = arith.constant 0 : index
      %get3A_260 = tpu.vector_load %arg10[%get3A_258, %get3A_259] {strides = array<i32>} : memref<512x32xf32, #tpu.memory_space<vmem>>, vector<16xf32>,
      %get3A_261 = arith.index_cast %scan3A_251 : i32 to index
      %get3A_262 = arith.constant 16 : index
      %get3A_263 = tpu.vector_load %arg10[%get3A_261, %get3A_262] {strides = array<i32>} : memref<512x32xf32, #tpu.memory_space<vmem>>, vector<16xf32>,
      %mul3A_264 = arith.mulf %get3A_254, %get3A_260 : vector<16xf32>
      %mul3A_265 = arith.mulf %get3A_257, %get3A_263 : vector<16xf32>
      %add3A_266 = arith.addf %mul3A_264, %mul3A_265 : vector<16xf32>
      %mul3A_267 = arith.constant 16 : i32
      %mul3A_268 = arith.muli %scan3A_251, %mul3A_267 : i32
      %swap3A_269 = arith.index_cast %mul3A_268 : i32 to index
      %swap3A_270 = tpu.vector_load %arg11[%swap3A_269] {strides = array<i32>} : memref<8192xf32, #tpu.memory_space<vmem>>, vector<16xf32>,
      tpu.vector_store %arg11[%swap3A_269], %add3A_266 {strides = array<i32>} : memref<8192xf32, #tpu.memory_space<vmem>>, vector<16xf32>,
      %scan3A_271 = arith.constant 4 : i32
      %scan3A_272 = arith.addi %scan3A_190, %scan3A_271 : i32
      %get3A_273 = arith.index_cast %scan3A_272 : i32 to index
      %get3A_274 = arith.constant 0 : index
      %get3A_275 = tpu.vector_load %arg9[%get3A_273, %get3A_274] {strides = array<i32>} : memref<512x32xf32, #tpu.memory_space<vmem>>, vector<16xf32>,
      %get3A_276 = arith.index_cast %scan3A_272 : i32 to index
      %get3A_277 = arith.constant 16 : index
      %get3A_278 = tpu.vector_load %arg9[%get3A_276, %get3A_277] {strides = array<i32>} : memref<512x32xf32, #tpu.memory_space<vmem>>, vector<16xf32>,
      %get3A_279 = arith.index_cast %scan3A_272 : i32 to index
      %get3A_280 = arith.constant 0 : index
      %get3A_281 = tpu.vector_load %arg10[%get3A_279, %get3A_280] {strides = array<i32>} : memref<512x32xf32, #tpu.memory_space<vmem>>, vector<16xf32>,
      %get3A_282 = arith.index_cast %scan3A_272 : i32 to index
      %get3A_283 = arith.constant 16 : index
      %get3A_284 = tpu.vector_load %arg10[%get3A_282, %get3A_283] {strides = array<i32>} : memref<512x32xf32, #tpu.memory_space<vmem>>, vector<16xf32>,
      %mul3A_285 = arith.mulf %get3A_275, %get3A_281 : vector<16xf32>
      %mul3A_286 = arith.mulf %get3A_278, %get3A_284 : vector<16xf32>
      %add3A_287 = arith.addf %mul3A_285, %mul3A_286 : vector<16xf32>
      %mul3A_288 = arith.constant 16 : i32
      %mul3A_289 = arith.muli %scan3A_272, %mul3A_288 : i32
      %swap3A_290 = arith.index_cast %mul3A_289 : i32 to index
      %swap3A_291 = tpu.vector_load %arg11[%swap3A_290] {strides = array<i32>} : memref<8192xf32, #tpu.memory_space<vmem>>, vector<16xf32>,
      tpu.vector_store %arg11[%swap3A_290], %add3A_287 {strides = array<i32>} : memref<8192xf32, #tpu.memory_space<vmem>>, vector<16xf32>,
      %scan3A_292 = arith.constant 5 : i32
      %scan3A_293 = arith.addi %scan3A_190, %scan3A_292 : i32
      %get3A_294 = arith.index_cast %scan3A_293 : i32 to index
      %get3A_295 = arith.constant 0 : index
      %get3A_296 = tpu.vector_load %arg9[%get3A_294, %get3A_295] {strides = array<i32>} : memref<512x32xf32, #tpu.memory_space<vmem>>, vector<16xf32>,
      %get3A_297 = arith.index_cast %scan3A_293 : i32 to index
      %get3A_298 = arith.constant 16 : index
      %get3A_299 = tpu.vector_load %arg9[%get3A_297, %get3A_298] {strides = array<i32>} : memref<512x32xf32, #tpu.memory_space<vmem>>, vector<16xf32>,
      %get3A_300 = arith.index_cast %scan3A_293 : i32 to index
      %get3A_301 = arith.constant 0 : index
      %get3A_302 = tpu.vector_load %arg10[%get3A_300, %get3A_301] {strides = array<i32>} : memref<512x32xf32, #tpu.memory_space<vmem>>, vector<16xf32>,
      %get3A_303 = arith.index_cast %scan3A_293 : i32 to index
      %get3A_304 = arith.constant 16 : index
      %get3A_305 = tpu.vector_load %arg10[%get3A_303, %get3A_304] {strides = array<i32>} : memref<512x32xf32, #tpu.memory_space<vmem>>, vector<16xf32>,
      %mul3A_306 = arith.mulf %get3A_296, %get3A_302 : vector<16xf32>
      %mul3A_307 = arith.mulf %get3A_299, %get3A_305 : vector<16xf32>
      %add3A_308 = arith.addf %mul3A_306, %mul3A_307 : vector<16xf32>
      %mul3A_309 = arith.constant 16 : i32
      %mul3A_310 = arith.muli %scan3A_293, %mul3A_309 : i32
      %swap3A_311 = arith.index_cast %mul3A_310 : i32 to index
      %swap3A_312 = tpu.vector_load %arg11[%swap3A_311] {strides = array<i32>} : memref<8192xf32, #tpu.memory_space<vmem>>, vector<16xf32>,
      tpu.vector_store %arg11[%swap3A_311], %add3A_308 {strides = array<i32>} : memref<8192xf32, #tpu.memory_space<vmem>>, vector<16xf32>,
      %scan3A_313 = arith.constant 6 : i32
      %scan3A_314 = arith.addi %scan3A_190, %scan3A_313 : i32
      %get3A_315 = arith.index_cast %scan3A_314 : i32 to index
      %get3A_316 = arith.constant 0 : index
      %get3A_317 = tpu.vector_load %arg9[%get3A_315, %get3A_316] {strides = array<i32>} : memref<512x32xf32, #tpu.memory_space<vmem>>, vector<16xf32>,
      %get3A_318 = arith.index_cast %scan3A_314 : i32 to index
      %get3A_319 = arith.constant 16 : index
      %get3A_320 = tpu.vector_load %arg9[%get3A_318, %get3A_319] {strides = array<i32>} : memref<512x32xf32, #tpu.memory_space<vmem>>, vector<16xf32>,
      %get3A_321 = arith.index_cast %scan3A_314 : i32 to index
      %get3A_322 = arith.constant 0 : index
      %get3A_323 = tpu.vector_load %arg10[%get3A_321, %get3A_322] {strides = array<i32>} : memref<512x32xf32, #tpu.memory_space<vmem>>, vector<16xf32>,
      %get3A_324 = arith.index_cast %scan3A_314 : i32 to index
      %get3A_325 = arith.constant 16 : index
      %get3A_326 = tpu.vector_load %arg10[%get3A_324, %get3A_325] {strides = array<i32>} : memref<512x32xf32, #tpu.memory_space<vmem>>, vector<16xf32>,
      %mul3A_327 = arith.mulf %get3A_317, %get3A_323 : vector<16xf32>
      %mul3A_328 = arith.mulf %get3A_320, %get3A_326 : vector<16xf32>
      %add3A_329 = arith.addf %mul3A_327, %mul3A_328 : vector<16xf32>
      %mul3A_330 = arith.constant 16 : i32
      %mul3A_331 = arith.muli %scan3A_314, %mul3A_330 : i32
      %swap3A_332 = arith.index_cast %mul3A_331 : i32 to index
      %swap3A_333 = tpu.vector_load %arg11[%swap3A_332] {strides = array<i32>} : memref<8192xf32, #tpu.memory_space<vmem>>, vector<16xf32>,
      tpu.vector_store %arg11[%swap3A_332], %add3A_329 {strides = array<i32>} : memref<8192xf32, #tpu.memory_space<vmem>>, vector<16xf32>,
      %scan3A_334 = arith.constant 7 : i32
      %scan3A_335 = arith.addi %scan3A_190, %scan3A_334 : i32
      %get3A_336 = arith.index_cast %scan3A_335 : i32 to index
      %get3A_337 = arith.constant 0 : index
      %get3A_338 = tpu.vector_load %arg9[%get3A_336, %get3A_337] {strides = array<i32>} : memref<512x32xf32, #tpu.memory_space<vmem>>, vector<16xf32>,
      %get3A_339 = arith.index_cast %scan3A_335 : i32 to index
      %get3A_340 = arith.constant 16 : index
      %get3A_341 = tpu.vector_load %arg9[%get3A_339, %get3A_340] {strides = array<i32>} : memref<512x32xf32, #tpu.memory_space<vmem>>, vector<16xf32>,
      %get3A_342 = arith.index_cast %scan3A_335 : i32 to index
      %get3A_343 = arith.constant 0 : index
      %get3A_344 = tpu.vector_load %arg10[%get3A_342, %get3A_343] {strides = array<i32>} : memref<512x32xf32, #tpu.memory_space<vmem>>, vector<16xf32>,
      %get3A_345 = arith.index_cast %scan3A_335 : i32 to index
      %get3A_346 = arith.constant 16 : index
      %get3A_347 = tpu.vector_load %arg10[%get3A_345, %get3A_346] {strides = array<i32>} : memref<512x32xf32, #tpu.memory_space<vmem>>, vector<16xf32>,
      %mul3A_348 = arith.mulf %get3A_338, %get3A_344 : vector<16xf32>
      %mul3A_349 = arith.mulf %get3A_341, %get3A_347 : vector<16xf32>
      %add3A_350 = arith.addf %mul3A_348, %mul3A_349 : vector<16xf32>
      %mul3A_351 = arith.constant 16 : i32
      %mul3A_352 = arith.muli %scan3A_335, %mul3A_351 : i32
      %swap3A_353 = arith.index_cast %mul3A_352 : i32 to index
      %swap3A_354 = tpu.vector_load %arg11[%swap3A_353] {strides = array<i32>} : memref<8192xf32, #tpu.memory_space<vmem>>, vector<16xf32>,
      tpu.vector_store %arg11[%swap3A_353], %add3A_350 {strides = array<i32>} : memref<8192xf32, #tpu.memory_space<vmem>>, vector<16xf32>,
    }
    %scan3A_131 = arith.constant 128 : i32
    %dma_wait3A_132 = arith.constant 2 : i32
    %dma_wait3A_133 = arith.constant 256 : i32
    %dma_wait3A_134 = arith.constant 0 : i32
    %dma_wait3A_135 = tpu.memref_slice %arg9[%dma_wait3A_133, %dma_wait3A_134] : memref<512x32xf32, #tpu.memory_space<vmem>> -> memref<128x32xf32, #tpu.memory_space<vmem>>
    %dma_wait3A_136 = arith.constant 0 : i32
    %dma_wait3A_137 = tpu.memref_slice %arg7[%dma_wait3A_132, %dma_wait3A_136] : memref<4x128xi32, #tpu.memory_space<vmem>> -> memref<1x128xi32, #tpu.memory_space<vmem>>
    %dma_wait3A_138 = tpu.memref_squeeze %dma_wait3A_137 : memref<1x128xi32, #tpu.memory_space<vmem>> -> memref<128xi32, #tpu.memory_space<vmem>>
    %dma_wait3A_139 = arith.constant 0 : i32
    %dma_wait3A_140 = arith.constant 0 : i32
    %dma_wait3A_141 = tpu.memref_slice %arg4[%dma_wait3A_139, %dma_wait3A_140] : memref<1000001x32xf32, #tpu.memory_space<hbm>> -> memref<1000001x32xf32, #tpu.memory_space<hbm>>
    tpu.wait_indirect_dma semaphore(%arg13 : memref<!tpu.dma_semaphore, #tpu.memory_space<semaphore_mem>>) src(%dma_wait3A_141 : memref<1000001x32xf32, #tpu.memory_space<hbm>>) dst(%dma_wait3A_135 : memref<128x32xf32, #tpu.memory_space<vmem>>)
    %dma_wait3A_142 = arith.constant 2 : i32
    %dma_wait3A_143 = arith.constant 256 : i32
    %dma_wait3A_144 = arith.constant 0 : i32
    %dma_wait3A_145 = tpu.memref_slice %arg10[%dma_wait3A_143, %dma_wait3A_144] : memref<512x32xf32, #tpu.memory_space<vmem>> -> memref<128x32xf32, #tpu.memory_space<vmem>>
    %dma_wait3A_146 = arith.constant 0 : i32
    %dma_wait3A_147 = tpu.memref_slice %arg8[%dma_wait3A_142, %dma_wait3A_146] : memref<4x128xi32, #tpu.memory_space<vmem>> -> memref<1x128xi32, #tpu.memory_space<vmem>>
    %dma_wait3A_148 = tpu.memref_squeeze %dma_wait3A_147 : memref<1x128xi32, #tpu.memory_space<vmem>> -> memref<128xi32, #tpu.memory_space<vmem>>
    %dma_wait3A_149 = arith.constant 0 : i32
    %dma_wait3A_150 = arith.constant 0 : i32
    %dma_wait3A_151 = tpu.memref_slice %arg5[%dma_wait3A_149, %dma_wait3A_150] : memref<100001x32xf32, #tpu.memory_space<hbm>> -> memref<100001x32xf32, #tpu.memory_space<hbm>>
    tpu.wait_indirect_dma semaphore(%arg14 : memref<!tpu.dma_semaphore, #tpu.memory_space<semaphore_mem>>) src(%dma_wait3A_151 : memref<100001x32xf32, #tpu.memory_space<hbm>>) dst(%dma_wait3A_145 : memref<128x32xf32, #tpu.memory_space<vmem>>)
    %scan3A_152 = arith.constant 0 : i32
    %scan3A_153 = arith.constant 256 : i32
    %scan3A_154 = arith.constant 128 : i32
    %scan3A_155 = arith.addi %scan3A_153, %scan3A_154 : i32
    %scan3A_156 = arith.constant 8 : i32
    scf.for %scan3A_190 = %scan3A_153 to %scan3A_155 step %scan3A_156  : i32 {
      %get3A = arith.index_cast %scan3A_190 : i32 to index
      %get3A_191 = arith.constant 0 : index
      %get3A_192 = tpu.vector_load %arg9[%get3A, %get3A_191] {strides = array<i32>} : memref<512x32xf32, #tpu.memory_space<vmem>>, vector<16xf32>,
      %get3A_193 = arith.index_cast %scan3A_190 : i32 to index
      %get3A_194 = arith.constant 16 : index
      %get3A_195 = tpu.vector_load %arg9[%get3A_193, %get3A_194] {strides = array<i32>} : memref<512x32xf32, #tpu.memory_space<vmem>>, vector<16xf32>,
      %get3A_196 = arith.index_cast %scan3A_190 : i32 to index
      %get3A_197 = arith.constant 0 : index
      %get3A_198 = tpu.vector_load %arg10[%get3A_196, %get3A_197] {strides = array<i32>} : memref<512x32xf32, #tpu.memory_space<vmem>>, vector<16xf32>,
      %get3A_199 = arith.index_cast %scan3A_190 : i32 to index
      %get3A_200 = arith.constant 16 : index
      %get3A_201 = tpu.vector_load %arg10[%get3A_199, %get3A_200] {strides = array<i32>} : memref<512x32xf32, #tpu.memory_space<vmem>>, vector<16xf32>,
      %mul3A_202 = arith.mulf %get3A_192, %get3A_198 : vector<16xf32>
      %mul3A_203 = arith.mulf %get3A_195, %get3A_201 : vector<16xf32>
      %add3A_204 = arith.addf %mul3A_202, %mul3A_203 : vector<16xf32>
      %mul3A_205 = arith.constant 16 : i32
      %mul3A_206 = arith.muli %scan3A_190, %mul3A_205 : i32
      %swap3A = arith.index_cast %mul3A_206 : i32 to index
      %swap3A_207 = tpu.vector_load %arg11[%swap3A] {strides = array<i32>} : memref<8192xf32, #tpu.memory_space<vmem>>, vector<16xf32>,
      tpu.vector_store %arg11[%swap3A], %add3A_204 {strides = array<i32>} : memref<8192xf32, #tpu.memory_space<vmem>>, vector<16xf32>,
      %scan3A_208 = arith.constant 1 : i32
      %scan3A_209 = arith.addi %scan3A_190, %scan3A_208 : i32
      %get3A_210 = arith.index_cast %scan3A_209 : i32 to index
      %get3A_211 = arith.constant 0 : index
      %get3A_212 = tpu.vector_load %arg9[%get3A_210, %get3A_211] {strides = array<i32>} : memref<512x32xf32, #tpu.memory_space<vmem>>, vector<16xf32>,
      %get3A_213 = arith.index_cast %scan3A_209 : i32 to index
      %get3A_214 = arith.constant 16 : index
      %get3A_215 = tpu.vector_load %arg9[%get3A_213, %get3A_214] {strides = array<i32>} : memref<512x32xf32, #tpu.memory_space<vmem>>, vector<16xf32>,
      %get3A_216 = arith.index_cast %scan3A_209 : i32 to index
      %get3A_217 = arith.constant 0 : index
      %get3A_218 = tpu.vector_load %arg10[%get3A_216, %get3A_217] {strides = array<i32>} : memref<512x32xf32, #tpu.memory_space<vmem>>, vector<16xf32>,
      %get3A_219 = arith.index_cast %scan3A_209 : i32 to index
      %get3A_220 = arith.constant 16 : index
      %get3A_221 = tpu.vector_load %arg10[%get3A_219, %get3A_220] {strides = array<i32>} : memref<512x32xf32, #tpu.memory_space<vmem>>, vector<16xf32>,
      %mul3A_222 = arith.mulf %get3A_212, %get3A_218 : vector<16xf32>
      %mul3A_223 = arith.mulf %get3A_215, %get3A_221 : vector<16xf32>
      %add3A_224 = arith.addf %mul3A_222, %mul3A_223 : vector<16xf32>
      %mul3A_225 = arith.constant 16 : i32
      %mul3A_226 = arith.muli %scan3A_209, %mul3A_225 : i32
      %swap3A_227 = arith.index_cast %mul3A_226 : i32 to index
      %swap3A_228 = tpu.vector_load %arg11[%swap3A_227] {strides = array<i32>} : memref<8192xf32, #tpu.memory_space<vmem>>, vector<16xf32>,
      tpu.vector_store %arg11[%swap3A_227], %add3A_224 {strides = array<i32>} : memref<8192xf32, #tpu.memory_space<vmem>>, vector<16xf32>,
      %scan3A_229 = arith.constant 2 : i32
      %scan3A_230 = arith.addi %scan3A_190, %scan3A_229 : i32
      %get3A_231 = arith.index_cast %scan3A_230 : i32 to index
      %get3A_232 = arith.constant 0 : index
      %get3A_233 = tpu.vector_load %arg9[%get3A_231, %get3A_232] {strides = array<i32>} : memref<512x32xf32, #tpu.memory_space<vmem>>, vector<16xf32>,
      %get3A_234 = arith.index_cast %scan3A_230 : i32 to index
      %get3A_235 = arith.constant 16 : index
      %get3A_236 = tpu.vector_load %arg9[%get3A_234, %get3A_235] {strides = array<i32>} : memref<512x32xf32, #tpu.memory_space<vmem>>, vector<16xf32>,
      %get3A_237 = arith.index_cast %scan3A_230 : i32 to index
      %get3A_238 = arith.constant 0 : index
      %get3A_239 = tpu.vector_load %arg10[%get3A_237, %get3A_238] {strides = array<i32>} : memref<512x32xf32, #tpu.memory_space<vmem>>, vector<16xf32>,
      %get3A_240 = arith.index_cast %scan3A_230 : i32 to index
      %get3A_241 = arith.constant 16 : index
      %get3A_242 = tpu.vector_load %arg10[%get3A_240, %get3A_241] {strides = array<i32>} : memref<512x32xf32, #tpu.memory_space<vmem>>, vector<16xf32>,
      %mul3A_243 = arith.mulf %get3A_233, %get3A_239 : vector<16xf32>
      %mul3A_244 = arith.mulf %get3A_236, %get3A_242 : vector<16xf32>
      %add3A_245 = arith.addf %mul3A_243, %mul3A_244 : vector<16xf32>
      %mul3A_246 = arith.constant 16 : i32
      %mul3A_247 = arith.muli %scan3A_230, %mul3A_246 : i32
      %swap3A_248 = arith.index_cast %mul3A_247 : i32 to index
      %swap3A_249 = tpu.vector_load %arg11[%swap3A_248] {strides = array<i32>} : memref<8192xf32, #tpu.memory_space<vmem>>, vector<16xf32>,
      tpu.vector_store %arg11[%swap3A_248], %add3A_245 {strides = array<i32>} : memref<8192xf32, #tpu.memory_space<vmem>>, vector<16xf32>,
      %scan3A_250 = arith.constant 3 : i32
      %scan3A_251 = arith.addi %scan3A_190, %scan3A_250 : i32
      %get3A_252 = arith.index_cast %scan3A_251 : i32 to index
      %get3A_253 = arith.constant 0 : index
      %get3A_254 = tpu.vector_load %arg9[%get3A_252, %get3A_253] {strides = array<i32>} : memref<512x32xf32, #tpu.memory_space<vmem>>, vector<16xf32>,
      %get3A_255 = arith.index_cast %scan3A_251 : i32 to index
      %get3A_256 = arith.constant 16 : index
      %get3A_257 = tpu.vector_load %arg9[%get3A_255, %get3A_256] {strides = array<i32>} : memref<512x32xf32, #tpu.memory_space<vmem>>, vector<16xf32>,
      %get3A_258 = arith.index_cast %scan3A_251 : i32 to index
      %get3A_259 = arith.constant 0 : index
      %get3A_260 = tpu.vector_load %arg10[%get3A_258, %get3A_259] {strides = array<i32>} : memref<512x32xf32, #tpu.memory_space<vmem>>, vector<16xf32>,
      %get3A_261 = arith.index_cast %scan3A_251 : i32 to index
      %get3A_262 = arith.constant 16 : index
      %get3A_263 = tpu.vector_load %arg10[%get3A_261, %get3A_262] {strides = array<i32>} : memref<512x32xf32, #tpu.memory_space<vmem>>, vector<16xf32>,
      %mul3A_264 = arith.mulf %get3A_254, %get3A_260 : vector<16xf32>
      %mul3A_265 = arith.mulf %get3A_257, %get3A_263 : vector<16xf32>
      %add3A_266 = arith.addf %mul3A_264, %mul3A_265 : vector<16xf32>
      %mul3A_267 = arith.constant 16 : i32
      %mul3A_268 = arith.muli %scan3A_251, %mul3A_267 : i32
      %swap3A_269 = arith.index_cast %mul3A_268 : i32 to index
      %swap3A_270 = tpu.vector_load %arg11[%swap3A_269] {strides = array<i32>} : memref<8192xf32, #tpu.memory_space<vmem>>, vector<16xf32>,
      tpu.vector_store %arg11[%swap3A_269], %add3A_266 {strides = array<i32>} : memref<8192xf32, #tpu.memory_space<vmem>>, vector<16xf32>,
      %scan3A_271 = arith.constant 4 : i32
      %scan3A_272 = arith.addi %scan3A_190, %scan3A_271 : i32
      %get3A_273 = arith.index_cast %scan3A_272 : i32 to index
      %get3A_274 = arith.constant 0 : index
      %get3A_275 = tpu.vector_load %arg9[%get3A_273, %get3A_274] {strides = array<i32>} : memref<512x32xf32, #tpu.memory_space<vmem>>, vector<16xf32>,
      %get3A_276 = arith.index_cast %scan3A_272 : i32 to index
      %get3A_277 = arith.constant 16 : index
      %get3A_278 = tpu.vector_load %arg9[%get3A_276, %get3A_277] {strides = array<i32>} : memref<512x32xf32, #tpu.memory_space<vmem>>, vector<16xf32>,
      %get3A_279 = arith.index_cast %scan3A_272 : i32 to index
      %get3A_280 = arith.constant 0 : index
      %get3A_281 = tpu.vector_load %arg10[%get3A_279, %get3A_280] {strides = array<i32>} : memref<512x32xf32, #tpu.memory_space<vmem>>, vector<16xf32>,
      %get3A_282 = arith.index_cast %scan3A_272 : i32 to index
      %get3A_283 = arith.constant 16 : index
      %get3A_284 = tpu.vector_load %arg10[%get3A_282, %get3A_283] {strides = array<i32>} : memref<512x32xf32, #tpu.memory_space<vmem>>, vector<16xf32>,
      %mul3A_285 = arith.mulf %get3A_275, %get3A_281 : vector<16xf32>
      %mul3A_286 = arith.mulf %get3A_278, %get3A_284 : vector<16xf32>
      %add3A_287 = arith.addf %mul3A_285, %mul3A_286 : vector<16xf32>
      %mul3A_288 = arith.constant 16 : i32
      %mul3A_289 = arith.muli %scan3A_272, %mul3A_288 : i32
      %swap3A_290 = arith.index_cast %mul3A_289 : i32 to index
      %swap3A_291 = tpu.vector_load %arg11[%swap3A_290] {strides = array<i32>} : memref<8192xf32, #tpu.memory_space<vmem>>, vector<16xf32>,
      tpu.vector_store %arg11[%swap3A_290], %add3A_287 {strides = array<i32>} : memref<8192xf32, #tpu.memory_space<vmem>>, vector<16xf32>,
      %scan3A_292 = arith.constant 5 : i32
      %scan3A_293 = arith.addi %scan3A_190, %scan3A_292 : i32
      %get3A_294 = arith.index_cast %scan3A_293 : i32 to index
      %get3A_295 = arith.constant 0 : index
      %get3A_296 = tpu.vector_load %arg9[%get3A_294, %get3A_295] {strides = array<i32>} : memref<512x32xf32, #tpu.memory_space<vmem>>, vector<16xf32>,
      %get3A_297 = arith.index_cast %scan3A_293 : i32 to index
      %get3A_298 = arith.constant 16 : index
      %get3A_299 = tpu.vector_load %arg9[%get3A_297, %get3A_298] {strides = array<i32>} : memref<512x32xf32, #tpu.memory_space<vmem>>, vector<16xf32>,
      %get3A_300 = arith.index_cast %scan3A_293 : i32 to index
      %get3A_301 = arith.constant 0 : index
      %get3A_302 = tpu.vector_load %arg10[%get3A_300, %get3A_301] {strides = array<i32>} : memref<512x32xf32, #tpu.memory_space<vmem>>, vector<16xf32>,
      %get3A_303 = arith.index_cast %scan3A_293 : i32 to index
      %get3A_304 = arith.constant 16 : index
      %get3A_305 = tpu.vector_load %arg10[%get3A_303, %get3A_304] {strides = array<i32>} : memref<512x32xf32, #tpu.memory_space<vmem>>, vector<16xf32>,
      %mul3A_306 = arith.mulf %get3A_296, %get3A_302 : vector<16xf32>
      %mul3A_307 = arith.mulf %get3A_299, %get3A_305 : vector<16xf32>
      %add3A_308 = arith.addf %mul3A_306, %mul3A_307 : vector<16xf32>
      %mul3A_309 = arith.constant 16 : i32
      %mul3A_310 = arith.muli %scan3A_293, %mul3A_309 : i32
      %swap3A_311 = arith.index_cast %mul3A_310 : i32 to index
      %swap3A_312 = tpu.vector_load %arg11[%swap3A_311] {strides = array<i32>} : memref<8192xf32, #tpu.memory_space<vmem>>, vector<16xf32>,
      tpu.vector_store %arg11[%swap3A_311], %add3A_308 {strides = array<i32>} : memref<8192xf32, #tpu.memory_space<vmem>>, vector<16xf32>,
      %scan3A_313 = arith.constant 6 : i32
      %scan3A_314 = arith.addi %scan3A_190, %scan3A_313 : i32
      %get3A_315 = arith.index_cast %scan3A_314 : i32 to index
      %get3A_316 = arith.constant 0 : index
      %get3A_317 = tpu.vector_load %arg9[%get3A_315, %get3A_316] {strides = array<i32>} : memref<512x32xf32, #tpu.memory_space<vmem>>, vector<16xf32>,
      %get3A_318 = arith.index_cast %scan3A_314 : i32 to index
      %get3A_319 = arith.constant 16 : index
      %get3A_320 = tpu.vector_load %arg9[%get3A_318, %get3A_319] {strides = array<i32>} : memref<512x32xf32, #tpu.memory_space<vmem>>, vector<16xf32>,
      %get3A_321 = arith.index_cast %scan3A_314 : i32 to index
      %get3A_322 = arith.constant 0 : index
      %get3A_323 = tpu.vector_load %arg10[%get3A_321, %get3A_322] {strides = array<i32>} : memref<512x32xf32, #tpu.memory_space<vmem>>, vector<16xf32>,
      %get3A_324 = arith.index_cast %scan3A_314 : i32 to index
      %get3A_325 = arith.constant 16 : index
      %get3A_326 = tpu.vector_load %arg10[%get3A_324, %get3A_325] {strides = array<i32>} : memref<512x32xf32, #tpu.memory_space<vmem>>, vector<16xf32>,
      %mul3A_327 = arith.mulf %get3A_317, %get3A_323 : vector<16xf32>
      %mul3A_328 = arith.mulf %get3A_320, %get3A_326 : vector<16xf32>
      %add3A_329 = arith.addf %mul3A_327, %mul3A_328 : vector<16xf32>
      %mul3A_330 = arith.constant 16 : i32
      %mul3A_331 = arith.muli %scan3A_314, %mul3A_330 : i32
      %swap3A_332 = arith.index_cast %mul3A_331 : i32 to index
      %swap3A_333 = tpu.vector_load %arg11[%swap3A_332] {strides = array<i32>} : memref<8192xf32, #tpu.memory_space<vmem>>, vector<16xf32>,
      tpu.vector_store %arg11[%swap3A_332], %add3A_329 {strides = array<i32>} : memref<8192xf32, #tpu.memory_space<vmem>>, vector<16xf32>,
      %scan3A_334 = arith.constant 7 : i32
      %scan3A_335 = arith.addi %scan3A_190, %scan3A_334 : i32
      %get3A_336 = arith.index_cast %scan3A_335 : i32 to index
      %get3A_337 = arith.constant 0 : index
      %get3A_338 = tpu.vector_load %arg9[%get3A_336, %get3A_337] {strides = array<i32>} : memref<512x32xf32, #tpu.memory_space<vmem>>, vector<16xf32>,
      %get3A_339 = arith.index_cast %scan3A_335 : i32 to index
      %get3A_340 = arith.constant 16 : index
      %get3A_341 = tpu.vector_load %arg9[%get3A_339, %get3A_340] {strides = array<i32>} : memref<512x32xf32, #tpu.memory_space<vmem>>, vector<16xf32>,
      %get3A_342 = arith.index_cast %scan3A_335 : i32 to index
      %get3A_343 = arith.constant 0 : index
      %get3A_344 = tpu.vector_load %arg10[%get3A_342, %get3A_343] {strides = array<i32>} : memref<512x32xf32, #tpu.memory_space<vmem>>, vector<16xf32>,
      %get3A_345 = arith.index_cast %scan3A_335 : i32 to index
      %get3A_346 = arith.constant 16 : index
      %get3A_347 = tpu.vector_load %arg10[%get3A_345, %get3A_346] {strides = array<i32>} : memref<512x32xf32, #tpu.memory_space<vmem>>, vector<16xf32>,
      %mul3A_348 = arith.mulf %get3A_338, %get3A_344 : vector<16xf32>
      %mul3A_349 = arith.mulf %get3A_341, %get3A_347 : vector<16xf32>
      %add3A_350 = arith.addf %mul3A_348, %mul3A_349 : vector<16xf32>
      %mul3A_351 = arith.constant 16 : i32
      %mul3A_352 = arith.muli %scan3A_335, %mul3A_351 : i32
      %swap3A_353 = arith.index_cast %mul3A_352 : i32 to index
      %swap3A_354 = tpu.vector_load %arg11[%swap3A_353] {strides = array<i32>} : memref<8192xf32, #tpu.memory_space<vmem>>, vector<16xf32>,
      tpu.vector_store %arg11[%swap3A_353], %add3A_350 {strides = array<i32>} : memref<8192xf32, #tpu.memory_space<vmem>>, vector<16xf32>,
    }
    %scan3A_157 = arith.constant 128 : i32
    %dma_wait3A_158 = arith.constant 3 : i32
    %dma_wait3A_159 = arith.constant 384 : i32
    %dma_wait3A_160 = arith.constant 0 : i32
    %dma_wait3A_161 = tpu.memref_slice %arg9[%dma_wait3A_159, %dma_wait3A_160] : memref<512x32xf32, #tpu.memory_space<vmem>> -> memref<128x32xf32, #tpu.memory_space<vmem>>
    %dma_wait3A_162 = arith.constant 0 : i32
    %dma_wait3A_163 = tpu.memref_slice %arg7[%dma_wait3A_158, %dma_wait3A_162] : memref<4x128xi32, #tpu.memory_space<vmem>> -> memref<1x128xi32, #tpu.memory_space<vmem>>
    %dma_wait3A_164 = tpu.memref_squeeze %dma_wait3A_163 : memref<1x128xi32, #tpu.memory_space<vmem>> -> memref<128xi32, #tpu.memory_space<vmem>>
    %dma_wait3A_165 = arith.constant 0 : i32
    %dma_wait3A_166 = arith.constant 0 : i32
    %dma_wait3A_167 = tpu.memref_slice %arg4[%dma_wait3A_165, %dma_wait3A_166] : memref<1000001x32xf32, #tpu.memory_space<hbm>> -> memref<1000001x32xf32, #tpu.memory_space<hbm>>
    tpu.wait_indirect_dma semaphore(%arg13 : memref<!tpu.dma_semaphore, #tpu.memory_space<semaphore_mem>>) src(%dma_wait3A_167 : memref<1000001x32xf32, #tpu.memory_space<hbm>>) dst(%dma_wait3A_161 : memref<128x32xf32, #tpu.memory_space<vmem>>)
    %dma_wait3A_168 = arith.constant 3 : i32
    %dma_wait3A_169 = arith.constant 384 : i32
    %dma_wait3A_170 = arith.constant 0 : i32
    %dma_wait3A_171 = tpu.memref_slice %arg10[%dma_wait3A_169, %dma_wait3A_170] : memref<512x32xf32, #tpu.memory_space<vmem>> -> memref<128x32xf32, #tpu.memory_space<vmem>>
    %dma_wait3A_172 = arith.constant 0 : i32
    %dma_wait3A_173 = tpu.memref_slice %arg8[%dma_wait3A_168, %dma_wait3A_172] : memref<4x128xi32, #tpu.memory_space<vmem>> -> memref<1x128xi32, #tpu.memory_space<vmem>>
    %dma_wait3A_174 = tpu.memref_squeeze %dma_wait3A_173 : memref<1x128xi32, #tpu.memory_space<vmem>> -> memref<128xi32, #tpu.memory_space<vmem>>
    %dma_wait3A_175 = arith.constant 0 : i32
    %dma_wait3A_176 = arith.constant 0 : i32
    %dma_wait3A_177 = tpu.memref_slice %arg5[%dma_wait3A_175, %dma_wait3A_176] : memref<100001x32xf32, #tpu.memory_space<hbm>> -> memref<100001x32xf32, #tpu.memory_space<hbm>>
    tpu.wait_indirect_dma semaphore(%arg14 : memref<!tpu.dma_semaphore, #tpu.memory_space<semaphore_mem>>) src(%dma_wait3A_177 : memref<100001x32xf32, #tpu.memory_space<hbm>>) dst(%dma_wait3A_171 : memref<128x32xf32, #tpu.memory_space<vmem>>)
    %scan3A_178 = arith.constant 0 : i32
    %scan3A_179 = arith.constant 384 : i32
    %scan3A_180 = arith.constant 128 : i32
    %scan3A_181 = arith.addi %scan3A_179, %scan3A_180 : i32
    %scan3A_182 = arith.constant 8 : i32
    scf.for %scan3A_190 = %scan3A_179 to %scan3A_181 step %scan3A_182  : i32 {
      %get3A = arith.index_cast %scan3A_190 : i32 to index
      %get3A_191 = arith.constant 0 : index
      %get3A_192 = tpu.vector_load %arg9[%get3A, %get3A_191] {strides = array<i32>} : memref<512x32xf32, #tpu.memory_space<vmem>>, vector<16xf32>,
      %get3A_193 = arith.index_cast %scan3A_190 : i32 to index
      %get3A_194 = arith.constant 16 : index
      %get3A_195 = tpu.vector_load %arg9[%get3A_193, %get3A_194] {strides = array<i32>} : memref<512x32xf32, #tpu.memory_space<vmem>>, vector<16xf32>,
      %get3A_196 = arith.index_cast %scan3A_190 : i32 to index
      %get3A_197 = arith.constant 0 : index
      %get3A_198 = tpu.vector_load %arg10[%get3A_196, %get3A_197] {strides = array<i32>} : memref<512x32xf32, #tpu.memory_space<vmem>>, vector<16xf32>,
      %get3A_199 = arith.index_cast %scan3A_190 : i32 to index
      %get3A_200 = arith.constant 16 : index
      %get3A_201 = tpu.vector_load %arg10[%get3A_199, %get3A_200] {strides = array<i32>} : memref<512x32xf32, #tpu.memory_space<vmem>>, vector<16xf32>,
      %mul3A_202 = arith.mulf %get3A_192, %get3A_198 : vector<16xf32>
      %mul3A_203 = arith.mulf %get3A_195, %get3A_201 : vector<16xf32>
      %add3A_204 = arith.addf %mul3A_202, %mul3A_203 : vector<16xf32>
      %mul3A_205 = arith.constant 16 : i32
      %mul3A_206 = arith.muli %scan3A_190, %mul3A_205 : i32
      %swap3A = arith.index_cast %mul3A_206 : i32 to index
      %swap3A_207 = tpu.vector_load %arg11[%swap3A] {strides = array<i32>} : memref<8192xf32, #tpu.memory_space<vmem>>, vector<16xf32>,
      tpu.vector_store %arg11[%swap3A], %add3A_204 {strides = array<i32>} : memref<8192xf32, #tpu.memory_space<vmem>>, vector<16xf32>,
      %scan3A_208 = arith.constant 1 : i32
      %scan3A_209 = arith.addi %scan3A_190, %scan3A_208 : i32
      %get3A_210 = arith.index_cast %scan3A_209 : i32 to index
      %get3A_211 = arith.constant 0 : index
      %get3A_212 = tpu.vector_load %arg9[%get3A_210, %get3A_211] {strides = array<i32>} : memref<512x32xf32, #tpu.memory_space<vmem>>, vector<16xf32>,
      %get3A_213 = arith.index_cast %scan3A_209 : i32 to index
      %get3A_214 = arith.constant 16 : index
      %get3A_215 = tpu.vector_load %arg9[%get3A_213, %get3A_214] {strides = array<i32>} : memref<512x32xf32, #tpu.memory_space<vmem>>, vector<16xf32>,
      %get3A_216 = arith.index_cast %scan3A_209 : i32 to index
      %get3A_217 = arith.constant 0 : index
      %get3A_218 = tpu.vector_load %arg10[%get3A_216, %get3A_217] {strides = array<i32>} : memref<512x32xf32, #tpu.memory_space<vmem>>, vector<16xf32>,
      %get3A_219 = arith.index_cast %scan3A_209 : i32 to index
      %get3A_220 = arith.constant 16 : index
      %get3A_221 = tpu.vector_load %arg10[%get3A_219, %get3A_220] {strides = array<i32>} : memref<512x32xf32, #tpu.memory_space<vmem>>, vector<16xf32>,
      %mul3A_222 = arith.mulf %get3A_212, %get3A_218 : vector<16xf32>
      %mul3A_223 = arith.mulf %get3A_215, %get3A_221 : vector<16xf32>
      %add3A_224 = arith.addf %mul3A_222, %mul3A_223 : vector<16xf32>
      %mul3A_225 = arith.constant 16 : i32
      %mul3A_226 = arith.muli %scan3A_209, %mul3A_225 : i32
      %swap3A_227 = arith.index_cast %mul3A_226 : i32 to index
      %swap3A_228 = tpu.vector_load %arg11[%swap3A_227] {strides = array<i32>} : memref<8192xf32, #tpu.memory_space<vmem>>, vector<16xf32>,
      tpu.vector_store %arg11[%swap3A_227], %add3A_224 {strides = array<i32>} : memref<8192xf32, #tpu.memory_space<vmem>>, vector<16xf32>,
      %scan3A_229 = arith.constant 2 : i32
      %scan3A_230 = arith.addi %scan3A_190, %scan3A_229 : i32
      %get3A_231 = arith.index_cast %scan3A_230 : i32 to index
      %get3A_232 = arith.constant 0 : index
      %get3A_233 = tpu.vector_load %arg9[%get3A_231, %get3A_232] {strides = array<i32>} : memref<512x32xf32, #tpu.memory_space<vmem>>, vector<16xf32>,
      %get3A_234 = arith.index_cast %scan3A_230 : i32 to index
      %get3A_235 = arith.constant 16 : index
      %get3A_236 = tpu.vector_load %arg9[%get3A_234, %get3A_235] {strides = array<i32>} : memref<512x32xf32, #tpu.memory_space<vmem>>, vector<16xf32>,
      %get3A_237 = arith.index_cast %scan3A_230 : i32 to index
      %get3A_238 = arith.constant 0 : index
      %get3A_239 = tpu.vector_load %arg10[%get3A_237, %get3A_238] {strides = array<i32>} : memref<512x32xf32, #tpu.memory_space<vmem>>, vector<16xf32>,
      %get3A_240 = arith.index_cast %scan3A_230 : i32 to index
      %get3A_241 = arith.constant 16 : index
      %get3A_242 = tpu.vector_load %arg10[%get3A_240, %get3A_241] {strides = array<i32>} : memref<512x32xf32, #tpu.memory_space<vmem>>, vector<16xf32>,
      %mul3A_243 = arith.mulf %get3A_233, %get3A_239 : vector<16xf32>
      %mul3A_244 = arith.mulf %get3A_236, %get3A_242 : vector<16xf32>
      %add3A_245 = arith.addf %mul3A_243, %mul3A_244 : vector<16xf32>
      %mul3A_246 = arith.constant 16 : i32
      %mul3A_247 = arith.muli %scan3A_230, %mul3A_246 : i32
      %swap3A_248 = arith.index_cast %mul3A_247 : i32 to index
      %swap3A_249 = tpu.vector_load %arg11[%swap3A_248] {strides = array<i32>} : memref<8192xf32, #tpu.memory_space<vmem>>, vector<16xf32>,
      tpu.vector_store %arg11[%swap3A_248], %add3A_245 {strides = array<i32>} : memref<8192xf32, #tpu.memory_space<vmem>>, vector<16xf32>,
      %scan3A_250 = arith.constant 3 : i32
      %scan3A_251 = arith.addi %scan3A_190, %scan3A_250 : i32
      %get3A_252 = arith.index_cast %scan3A_251 : i32 to index
      %get3A_253 = arith.constant 0 : index
      %get3A_254 = tpu.vector_load %arg9[%get3A_252, %get3A_253] {strides = array<i32>} : memref<512x32xf32, #tpu.memory_space<vmem>>, vector<16xf32>,
      %get3A_255 = arith.index_cast %scan3A_251 : i32 to index
      %get3A_256 = arith.constant 16 : index
      %get3A_257 = tpu.vector_load %arg9[%get3A_255, %get3A_256] {strides = array<i32>} : memref<512x32xf32, #tpu.memory_space<vmem>>, vector<16xf32>,
      %get3A_258 = arith.index_cast %scan3A_251 : i32 to index
      %get3A_259 = arith.constant 0 : index
      %get3A_260 = tpu.vector_load %arg10[%get3A_258, %get3A_259] {strides = array<i32>} : memref<512x32xf32, #tpu.memory_space<vmem>>, vector<16xf32>,
      %get3A_261 = arith.index_cast %scan3A_251 : i32 to index
      %get3A_262 = arith.constant 16 : index
      %get3A_263 = tpu.vector_load %arg10[%get3A_261, %get3A_262] {strides = array<i32>} : memref<512x32xf32, #tpu.memory_space<vmem>>, vector<16xf32>,
      %mul3A_264 = arith.mulf %get3A_254, %get3A_260 : vector<16xf32>
      %mul3A_265 = arith.mulf %get3A_257, %get3A_263 : vector<16xf32>
      %add3A_266 = arith.addf %mul3A_264, %mul3A_265 : vector<16xf32>
      %mul3A_267 = arith.constant 16 : i32
      %mul3A_268 = arith.muli %scan3A_251, %mul3A_267 : i32
      %swap3A_269 = arith.index_cast %mul3A_268 : i32 to index
      %swap3A_270 = tpu.vector_load %arg11[%swap3A_269] {strides = array<i32>} : memref<8192xf32, #tpu.memory_space<vmem>>, vector<16xf32>,
      tpu.vector_store %arg11[%swap3A_269], %add3A_266 {strides = array<i32>} : memref<8192xf32, #tpu.memory_space<vmem>>, vector<16xf32>,
      %scan3A_271 = arith.constant 4 : i32
      %scan3A_272 = arith.addi %scan3A_190, %scan3A_271 : i32
      %get3A_273 = arith.index_cast %scan3A_272 : i32 to index
      %get3A_274 = arith.constant 0 : index
      %get3A_275 = tpu.vector_load %arg9[%get3A_273, %get3A_274] {strides = array<i32>} : memref<512x32xf32, #tpu.memory_space<vmem>>, vector<16xf32>,
      %get3A_276 = arith.index_cast %scan3A_272 : i32 to index
      %get3A_277 = arith.constant 16 : index
      %get3A_278 = tpu.vector_load %arg9[%get3A_276, %get3A_277] {strides = array<i32>} : memref<512x32xf32, #tpu.memory_space<vmem>>, vector<16xf32>,
      %get3A_279 = arith.index_cast %scan3A_272 : i32 to index
      %get3A_280 = arith.constant 0 : index
      %get3A_281 = tpu.vector_load %arg10[%get3A_279, %get3A_280] {strides = array<i32>} : memref<512x32xf32, #tpu.memory_space<vmem>>, vector<16xf32>,
      %get3A_282 = arith.index_cast %scan3A_272 : i32 to index
      %get3A_283 = arith.constant 16 : index
      %get3A_284 = tpu.vector_load %arg10[%get3A_282, %get3A_283] {strides = array<i32>} : memref<512x32xf32, #tpu.memory_space<vmem>>, vector<16xf32>,
      %mul3A_285 = arith.mulf %get3A_275, %get3A_281 : vector<16xf32>
      %mul3A_286 = arith.mulf %get3A_278, %get3A_284 : vector<16xf32>
      %add3A_287 = arith.addf %mul3A_285, %mul3A_286 : vector<16xf32>
      %mul3A_288 = arith.constant 16 : i32
      %mul3A_289 = arith.muli %scan3A_272, %mul3A_288 : i32
      %swap3A_290 = arith.index_cast %mul3A_289 : i32 to index
      %swap3A_291 = tpu.vector_load %arg11[%swap3A_290] {strides = array<i32>} : memref<8192xf32, #tpu.memory_space<vmem>>, vector<16xf32>,
      tpu.vector_store %arg11[%swap3A_290], %add3A_287 {strides = array<i32>} : memref<8192xf32, #tpu.memory_space<vmem>>, vector<16xf32>,
      %scan3A_292 = arith.constant 5 : i32
      %scan3A_293 = arith.addi %scan3A_190, %scan3A_292 : i32
      %get3A_294 = arith.index_cast %scan3A_293 : i32 to index
      %get3A_295 = arith.constant 0 : index
      %get3A_296 = tpu.vector_load %arg9[%get3A_294, %get3A_295] {strides = array<i32>} : memref<512x32xf32, #tpu.memory_space<vmem>>, vector<16xf32>,
      %get3A_297 = arith.index_cast %scan3A_293 : i32 to index
      %get3A_298 = arith.constant 16 : index
      %get3A_299 = tpu.vector_load %arg9[%get3A_297, %get3A_298] {strides = array<i32>} : memref<512x32xf32, #tpu.memory_space<vmem>>, vector<16xf32>,
      %get3A_300 = arith.index_cast %scan3A_293 : i32 to index
      %get3A_301 = arith.constant 0 : index
      %get3A_302 = tpu.vector_load %arg10[%get3A_300, %get3A_301] {strides = array<i32>} : memref<512x32xf32, #tpu.memory_space<vmem>>, vector<16xf32>,
      %get3A_303 = arith.index_cast %scan3A_293 : i32 to index
      %get3A_304 = arith.constant 16 : index
      %get3A_305 = tpu.vector_load %arg10[%get3A_303, %get3A_304] {strides = array<i32>} : memref<512x32xf32, #tpu.memory_space<vmem>>, vector<16xf32>,
      %mul3A_306 = arith.mulf %get3A_296, %get3A_302 : vector<16xf32>
      %mul3A_307 = arith.mulf %get3A_299, %get3A_305 : vector<16xf32>
      %add3A_308 = arith.addf %mul3A_306, %mul3A_307 : vector<16xf32>
      %mul3A_309 = arith.constant 16 : i32
      %mul3A_310 = arith.muli %scan3A_293, %mul3A_309 : i32
      %swap3A_311 = arith.index_cast %mul3A_310 : i32 to index
      %swap3A_312 = tpu.vector_load %arg11[%swap3A_311] {strides = array<i32>} : memref<8192xf32, #tpu.memory_space<vmem>>, vector<16xf32>,
      tpu.vector_store %arg11[%swap3A_311], %add3A_308 {strides = array<i32>} : memref<8192xf32, #tpu.memory_space<vmem>>, vector<16xf32>,
      %scan3A_313 = arith.constant 6 : i32
      %scan3A_314 = arith.addi %scan3A_190, %scan3A_313 : i32
      %get3A_315 = arith.index_cast %scan3A_314 : i32 to index
      %get3A_316 = arith.constant 0 : index
      %get3A_317 = tpu.vector_load %arg9[%get3A_315, %get3A_316] {strides = array<i32>} : memref<512x32xf32, #tpu.memory_space<vmem>>, vector<16xf32>,
      %get3A_318 = arith.index_cast %scan3A_314 : i32 to index
      %get3A_319 = arith.constant 16 : index
      %get3A_320 = tpu.vector_load %arg9[%get3A_318, %get3A_319] {strides = array<i32>} : memref<512x32xf32, #tpu.memory_space<vmem>>, vector<16xf32>,
      %get3A_321 = arith.index_cast %scan3A_314 : i32 to index
      %get3A_322 = arith.constant 0 : index
      %get3A_323 = tpu.vector_load %arg10[%get3A_321, %get3A_322] {strides = array<i32>} : memref<512x32xf32, #tpu.memory_space<vmem>>, vector<16xf32>,
      %get3A_324 = arith.index_cast %scan3A_314 : i32 to index
      %get3A_325 = arith.constant 16 : index
      %get3A_326 = tpu.vector_load %arg10[%get3A_324, %get3A_325] {strides = array<i32>} : memref<512x32xf32, #tpu.memory_space<vmem>>, vector<16xf32>,
      %mul3A_327 = arith.mulf %get3A_317, %get3A_323 : vector<16xf32>
      %mul3A_328 = arith.mulf %get3A_320, %get3A_326 : vector<16xf32>
      %add3A_329 = arith.addf %mul3A_327, %mul3A_328 : vector<16xf32>
      %mul3A_330 = arith.constant 16 : i32
      %mul3A_331 = arith.muli %scan3A_314, %mul3A_330 : i32
      %swap3A_332 = arith.index_cast %mul3A_331 : i32 to index
      %swap3A_333 = tpu.vector_load %arg11[%swap3A_332] {strides = array<i32>} : memref<8192xf32, #tpu.memory_space<vmem>>, vector<16xf32>,
      tpu.vector_store %arg11[%swap3A_332], %add3A_329 {strides = array<i32>} : memref<8192xf32, #tpu.memory_space<vmem>>, vector<16xf32>,
      %scan3A_334 = arith.constant 7 : i32
      %scan3A_335 = arith.addi %scan3A_190, %scan3A_334 : i32
      %get3A_336 = arith.index_cast %scan3A_335 : i32 to index
      %get3A_337 = arith.constant 0 : index
      %get3A_338 = tpu.vector_load %arg9[%get3A_336, %get3A_337] {strides = array<i32>} : memref<512x32xf32, #tpu.memory_space<vmem>>, vector<16xf32>,
      %get3A_339 = arith.index_cast %scan3A_335 : i32 to index
      %get3A_340 = arith.constant 16 : index
      %get3A_341 = tpu.vector_load %arg9[%get3A_339, %get3A_340] {strides = array<i32>} : memref<512x32xf32, #tpu.memory_space<vmem>>, vector<16xf32>,
      %get3A_342 = arith.index_cast %scan3A_335 : i32 to index
      %get3A_343 = arith.constant 0 : index
      %get3A_344 = tpu.vector_load %arg10[%get3A_342, %get3A_343] {strides = array<i32>} : memref<512x32xf32, #tpu.memory_space<vmem>>, vector<16xf32>,
      %get3A_345 = arith.index_cast %scan3A_335 : i32 to index
      %get3A_346 = arith.constant 16 : index
      %get3A_347 = tpu.vector_load %arg10[%get3A_345, %get3A_346] {strides = array<i32>} : memref<512x32xf32, #tpu.memory_space<vmem>>, vector<16xf32>,
      %mul3A_348 = arith.mulf %get3A_338, %get3A_344 : vector<16xf32>
      %mul3A_349 = arith.mulf %get3A_341, %get3A_347 : vector<16xf32>
      %add3A_350 = arith.addf %mul3A_348, %mul3A_349 : vector<16xf32>
      %mul3A_351 = arith.constant 16 : i32
      %mul3A_352 = arith.muli %scan3A_335, %mul3A_351 : i32
      %swap3A_353 = arith.index_cast %mul3A_352 : i32 to index
      %swap3A_354 = tpu.vector_load %arg11[%swap3A_353] {strides = array<i32>} : memref<8192xf32, #tpu.memory_space<vmem>>, vector<16xf32>,
      tpu.vector_store %arg11[%swap3A_353], %add3A_350 {strides = array<i32>} : memref<8192xf32, #tpu.memory_space<vmem>>, vector<16xf32>,
    }
    %scan3A_183 = arith.constant 128 : i32
    %iota3A = tpu.iota {dimensions = array<i32: 0>} : vector<16xi32>
    %scan3A_184 = arith.constant 0 : i32
    %scan3A_185 = arith.constant 0 : i32
    %scan3A_186 = arith.constant 32 : i32
    %scan3A_187 = arith.addi %scan3A_185, %scan3A_186 : i32
    %scan3A_188 = arith.constant 2 : i32
    scf.for %scan3A_190 = %scan3A_185 to %scan3A_187 step %scan3A_188  : i32 {
      %mul3A_191 = arith.constant 256 : i32
      %mul3A_192 = arith.muli %scan3A_190, %mul3A_191 : i32
      %mul3A_193 = arith.constant 16 : i32
      %mul3A_194 = vector.broadcast %mul3A_193 : i32 to vector<16xi32>
      %mul3A_195 = arith.muli %iota3A, %mul3A_194 : vector<16xi32>
      %add3A_196 = vector.broadcast %mul3A_192 : i32 to vector<16xi32>
      %add3A_197 = arith.addi %add3A_196, %mul3A_195 : vector<16xi32>
      %gather3A = tpu.vector_load_idx %arg11[%add3A_197] : memref<8192xf32, #tpu.memory_space<vmem>>[vector<16xi32>], vector<16xf32>,
      %add3A_198 = arith.constant 1 : i32
      %add3A_199 = vector.broadcast %add3A_198 : i32 to vector<16xi32>
      %add3A_200 = arith.addi %add3A_197, %add3A_199 : vector<16xi32>
      %gather3A_201 = tpu.vector_load_idx %arg11[%add3A_200] : memref<8192xf32, #tpu.memory_space<vmem>>[vector<16xi32>], vector<16xf32>,
      %add3A_202 = arith.addf %gather3A, %gather3A_201 : vector<16xf32>
      %add3A_203 = arith.constant 2 : i32
      %add3A_204 = vector.broadcast %add3A_203 : i32 to vector<16xi32>
      %add3A_205 = arith.addi %add3A_197, %add3A_204 : vector<16xi32>
      %gather3A_206 = tpu.vector_load_idx %arg11[%add3A_205] : memref<8192xf32, #tpu.memory_space<vmem>>[vector<16xi32>], vector<16xf32>,
      %add3A_207 = arith.addf %add3A_202, %gather3A_206 : vector<16xf32>
      %add3A_208 = arith.constant 3 : i32
      %add3A_209 = vector.broadcast %add3A_208 : i32 to vector<16xi32>
      %add3A_210 = arith.addi %add3A_197, %add3A_209 : vector<16xi32>
      %gather3A_211 = tpu.vector_load_idx %arg11[%add3A_210] : memref<8192xf32, #tpu.memory_space<vmem>>[vector<16xi32>], vector<16xf32>,
      %add3A_212 = arith.addf %add3A_207, %gather3A_211 : vector<16xf32>
      %add3A_213 = arith.constant 4 : i32
      %add3A_214 = vector.broadcast %add3A_213 : i32 to vector<16xi32>
      %add3A_215 = arith.addi %add3A_197, %add3A_214 : vector<16xi32>
      %gather3A_216 = tpu.vector_load_idx %arg11[%add3A_215] : memref<8192xf32, #tpu.memory_space<vmem>>[vector<16xi32>], vector<16xf32>,
      %add3A_217 = arith.addf %add3A_212, %gather3A_216 : vector<16xf32>
      %add3A_218 = arith.constant 5 : i32
      %add3A_219 = vector.broadcast %add3A_218 : i32 to vector<16xi32>
      %add3A_220 = arith.addi %add3A_197, %add3A_219 : vector<16xi32>
      %gather3A_221 = tpu.vector_load_idx %arg11[%add3A_220] : memref<8192xf32, #tpu.memory_space<vmem>>[vector<16xi32>], vector<16xf32>,
      %add3A_222 = arith.addf %add3A_217, %gather3A_221 : vector<16xf32>
      %add3A_223 = arith.constant 6 : i32
      %add3A_224 = vector.broadcast %add3A_223 : i32 to vector<16xi32>
      %add3A_225 = arith.addi %add3A_197, %add3A_224 : vector<16xi32>
      %gather3A_226 = tpu.vector_load_idx %arg11[%add3A_225] : memref<8192xf32, #tpu.memory_space<vmem>>[vector<16xi32>], vector<16xf32>,
      %add3A_227 = arith.addf %add3A_222, %gather3A_226 : vector<16xf32>
      %add3A_228 = arith.constant 7 : i32
      %add3A_229 = vector.broadcast %add3A_228 : i32 to vector<16xi32>
      %add3A_230 = arith.addi %add3A_197, %add3A_229 : vector<16xi32>
      %gather3A_231 = tpu.vector_load_idx %arg11[%add3A_230] : memref<8192xf32, #tpu.memory_space<vmem>>[vector<16xi32>], vector<16xf32>,
      %add3A_232 = arith.addf %add3A_227, %gather3A_231 : vector<16xf32>
      %add3A_233 = arith.constant 8 : i32
      %add3A_234 = vector.broadcast %add3A_233 : i32 to vector<16xi32>
      %add3A_235 = arith.addi %add3A_197, %add3A_234 : vector<16xi32>
      %gather3A_236 = tpu.vector_load_idx %arg11[%add3A_235] : memref<8192xf32, #tpu.memory_space<vmem>>[vector<16xi32>], vector<16xf32>,
      %add3A_237 = arith.addf %add3A_232, %gather3A_236 : vector<16xf32>
      %add3A_238 = arith.constant 9 : i32
      %add3A_239 = vector.broadcast %add3A_238 : i32 to vector<16xi32>
      %add3A_240 = arith.addi %add3A_197, %add3A_239 : vector<16xi32>
      %gather3A_241 = tpu.vector_load_idx %arg11[%add3A_240] : memref<8192xf32, #tpu.memory_space<vmem>>[vector<16xi32>], vector<16xf32>,
      %add3A_242 = arith.addf %add3A_237, %gather3A_241 : vector<16xf32>
      %add3A_243 = arith.constant 10 : i32
      %add3A_244 = vector.broadcast %add3A_243 : i32 to vector<16xi32>
      %add3A_245 = arith.addi %add3A_197, %add3A_244 : vector<16xi32>
      %gather3A_246 = tpu.vector_load_idx %arg11[%add3A_245] : memref<8192xf32, #tpu.memory_space<vmem>>[vector<16xi32>], vector<16xf32>,
      %add3A_247 = arith.addf %add3A_242, %gather3A_246 : vector<16xf32>
      %add3A_248 = arith.constant 11 : i32
      %add3A_249 = vector.broadcast %add3A_248 : i32 to vector<16xi32>
      %add3A_250 = arith.addi %add3A_197, %add3A_249 : vector<16xi32>
      %gather3A_251 = tpu.vector_load_idx %arg11[%add3A_250] : memref<8192xf32, #tpu.memory_space<vmem>>[vector<16xi32>], vector<16xf32>,
      %add3A_252 = arith.addf %add3A_247, %gather3A_251 : vector<16xf32>
      %add3A_253 = arith.constant 12 : i32
      %add3A_254 = vector.broadcast %add3A_253 : i32 to vector<16xi32>
      %add3A_255 = arith.addi %add3A_197, %add3A_254 : vector<16xi32>
      %gather3A_256 = tpu.vector_load_idx %arg11[%add3A_255] : memref<8192xf32, #tpu.memory_space<vmem>>[vector<16xi32>], vector<16xf32>,
      %add3A_257 = arith.addf %add3A_252, %gather3A_256 : vector<16xf32>
      %add3A_258 = arith.constant 13 : i32
      %add3A_259 = vector.broadcast %add3A_258 : i32 to vector<16xi32>
      %add3A_260 = arith.addi %add3A_197, %add3A_259 : vector<16xi32>
      %gather3A_261 = tpu.vector_load_idx %arg11[%add3A_260] : memref<8192xf32, #tpu.memory_space<vmem>>[vector<16xi32>], vector<16xf32>,
      %add3A_262 = arith.addf %add3A_257, %gather3A_261 : vector<16xf32>
      %add3A_263 = arith.constant 14 : i32
      %add3A_264 = vector.broadcast %add3A_263 : i32 to vector<16xi32>
      %add3A_265 = arith.addi %add3A_197, %add3A_264 : vector<16xi32>
      %gather3A_266 = tpu.vector_load_idx %arg11[%add3A_265] : memref<8192xf32, #tpu.memory_space<vmem>>[vector<16xi32>], vector<16xf32>,
      %add3A_267 = arith.addf %add3A_262, %gather3A_266 : vector<16xf32>
      %add3A_268 = arith.constant 15 : i32
      %add3A_269 = vector.broadcast %add3A_268 : i32 to vector<16xi32>
      %add3A_270 = arith.addi %add3A_197, %add3A_269 : vector<16xi32>
      %gather3A_271 = tpu.vector_load_idx %arg11[%add3A_270] : memref<8192xf32, #tpu.memory_space<vmem>>[vector<16xi32>], vector<16xf32>,
      %add3A_272 = arith.addf %add3A_267, %gather3A_271 : vector<16xf32>
      %max3A = arith.constant -1.000000e+01 : f32
      %max3A_273 = vector.broadcast %max3A : f32 to vector<16xf32>
      %max3A_274 = arith.maximumf %add3A_272, %max3A_273 : vector<16xf32>
      %min3A = arith.constant 1.000000e+01 : f32
      %min3A_275 = vector.broadcast %min3A : f32 to vector<16xf32>
      %min3A_276 = arith.minimumf %max3A_274, %min3A_275 : vector<16xf32>
      %neg3A = arith.constant 0.000000e+00 : f32
      %neg3A_277 = vector.broadcast %neg3A : f32 to vector<16xf32>
      %neg3A_278 = arith.subf %neg3A_277, %min3A_276 : vector<16xf32>
      %exp3A = math.exp %neg3A_278 : vector<16xf32>
      %add3A_279 = arith.constant 1.000000e+00 : f32
      %add3A_280 = vector.broadcast %add3A_279 : f32 to vector<16xf32>
      %add3A_281 = arith.addf %add3A_280, %exp3A : vector<16xf32>
      %div3A = arith.constant 1.000000e+00 : f32
      %div3A_282 = vector.broadcast %div3A : f32 to vector<16xf32>
      %div3A_283 = arith.divf %div3A_282, %add3A_281 : vector<16xf32>
      %mul3A_284 = arith.constant 16 : i32
      %mul3A_285 = arith.muli %scan3A_190, %mul3A_284 : i32
      %swap3A = arith.index_cast %mul3A_285 : i32 to index
      %swap3A_286 = tpu.vector_load %arg12[%swap3A] {strides = array<i32>} : memref<512xf32, #tpu.memory_space<vmem>>, vector<16xf32>,
      tpu.vector_store %arg12[%swap3A], %div3A_283 {strides = array<i32>} : memref<512xf32, #tpu.memory_space<vmem>>, vector<16xf32>,
      %scan3A_287 = arith.constant 1 : i32
      %scan3A_288 = arith.addi %scan3A_190, %scan3A_287 : i32
      %mul3A_289 = arith.constant 256 : i32
      %mul3A_290 = arith.muli %scan3A_288, %mul3A_289 : i32
      %mul3A_291 = arith.constant 16 : i32
      %mul3A_292 = vector.broadcast %mul3A_291 : i32 to vector<16xi32>
      %mul3A_293 = arith.muli %iota3A, %mul3A_292 : vector<16xi32>
      %add3A_294 = vector.broadcast %mul3A_290 : i32 to vector<16xi32>
      %add3A_295 = arith.addi %add3A_294, %mul3A_293 : vector<16xi32>
      %gather3A_296 = tpu.vector_load_idx %arg11[%add3A_295] : memref<8192xf32, #tpu.memory_space<vmem>>[vector<16xi32>], vector<16xf32>,
      %add3A_297 = arith.constant 1 : i32
      %add3A_298 = vector.broadcast %add3A_297 : i32 to vector<16xi32>
      %add3A_299 = arith.addi %add3A_295, %add3A_298 : vector<16xi32>
      %gather3A_300 = tpu.vector_load_idx %arg11[%add3A_299] : memref<8192xf32, #tpu.memory_space<vmem>>[vector<16xi32>], vector<16xf32>,
      %add3A_301 = arith.addf %gather3A_296, %gather3A_300 : vector<16xf32>
      %add3A_302 = arith.constant 2 : i32
      %add3A_303 = vector.broadcast %add3A_302 : i32 to vector<16xi32>
      %add3A_304 = arith.addi %add3A_295, %add3A_303 : vector<16xi32>
      %gather3A_305 = tpu.vector_load_idx %arg11[%add3A_304] : memref<8192xf32, #tpu.memory_space<vmem>>[vector<16xi32>], vector<16xf32>,
      %add3A_306 = arith.addf %add3A_301, %gather3A_305 : vector<16xf32>
      %add3A_307 = arith.constant 3 : i32
      %add3A_308 = vector.broadcast %add3A_307 : i32 to vector<16xi32>
      %add3A_309 = arith.addi %add3A_295, %add3A_308 : vector<16xi32>
      %gather3A_310 = tpu.vector_load_idx %arg11[%add3A_309] : memref<8192xf32, #tpu.memory_space<vmem>>[vector<16xi32>], vector<16xf32>,
      %add3A_311 = arith.addf %add3A_306, %gather3A_310 : vector<16xf32>
      %add3A_312 = arith.constant 4 : i32
      %add3A_313 = vector.broadcast %add3A_312 : i32 to vector<16xi32>
      %add3A_314 = arith.addi %add3A_295, %add3A_313 : vector<16xi32>
      %gather3A_315 = tpu.vector_load_idx %arg11[%add3A_314] : memref<8192xf32, #tpu.memory_space<vmem>>[vector<16xi32>], vector<16xf32>,
      %add3A_316 = arith.addf %add3A_311, %gather3A_315 : vector<16xf32>
      %add3A_317 = arith.constant 5 : i32
      %add3A_318 = vector.broadcast %add3A_317 : i32 to vector<16xi32>
      %add3A_319 = arith.addi %add3A_295, %add3A_318 : vector<16xi32>
      %gather3A_320 = tpu.vector_load_idx %arg11[%add3A_319] : memref<8192xf32, #tpu.memory_space<vmem>>[vector<16xi32>], vector<16xf32>,
      %add3A_321 = arith.addf %add3A_316, %gather3A_320 : vector<16xf32>
      %add3A_322 = arith.constant 6 : i32
      %add3A_323 = vector.broadcast %add3A_322 : i32 to vector<16xi32>
      %add3A_324 = arith.addi %add3A_295, %add3A_323 : vector<16xi32>
      %gather3A_325 = tpu.vector_load_idx %arg11[%add3A_324] : memref<8192xf32, #tpu.memory_space<vmem>>[vector<16xi32>], vector<16xf32>,
      %add3A_326 = arith.addf %add3A_321, %gather3A_325 : vector<16xf32>
      %add3A_327 = arith.constant 7 : i32
      %add3A_328 = vector.broadcast %add3A_327 : i32 to vector<16xi32>
      %add3A_329 = arith.addi %add3A_295, %add3A_328 : vector<16xi32>
      %gather3A_330 = tpu.vector_load_idx %arg11[%add3A_329] : memref<8192xf32, #tpu.memory_space<vmem>>[vector<16xi32>], vector<16xf32>,
      %add3A_331 = arith.addf %add3A_326, %gather3A_330 : vector<16xf32>
      %add3A_332 = arith.constant 8 : i32
      %add3A_333 = vector.broadcast %add3A_332 : i32 to vector<16xi32>
      %add3A_334 = arith.addi %add3A_295, %add3A_333 : vector<16xi32>
      %gather3A_335 = tpu.vector_load_idx %arg11[%add3A_334] : memref<8192xf32, #tpu.memory_space<vmem>>[vector<16xi32>], vector<16xf32>,
      %add3A_336 = arith.addf %add3A_331, %gather3A_335 : vector<16xf32>
      %add3A_337 = arith.constant 9 : i32
      %add3A_338 = vector.broadcast %add3A_337 : i32 to vector<16xi32>
      %add3A_339 = arith.addi %add3A_295, %add3A_338 : vector<16xi32>
      %gather3A_340 = tpu.vector_load_idx %arg11[%add3A_339] : memref<8192xf32, #tpu.memory_space<vmem>>[vector<16xi32>], vector<16xf32>,
      %add3A_341 = arith.addf %add3A_336, %gather3A_340 : vector<16xf32>
      %add3A_342 = arith.constant 10 : i32
      %add3A_343 = vector.broadcast %add3A_342 : i32 to vector<16xi32>
      %add3A_344 = arith.addi %add3A_295, %add3A_343 : vector<16xi32>
      %gather3A_345 = tpu.vector_load_idx %arg11[%add3A_344] : memref<8192xf32, #tpu.memory_space<vmem>>[vector<16xi32>], vector<16xf32>,
      %add3A_346 = arith.addf %add3A_341, %gather3A_345 : vector<16xf32>
      %add3A_347 = arith.constant 11 : i32
      %add3A_348 = vector.broadcast %add3A_347 : i32 to vector<16xi32>
      %add3A_349 = arith.addi %add3A_295, %add3A_348 : vector<16xi32>
      %gather3A_350 = tpu.vector_load_idx %arg11[%add3A_349] : memref<8192xf32, #tpu.memory_space<vmem>>[vector<16xi32>], vector<16xf32>,
      %add3A_351 = arith.addf %add3A_346, %gather3A_350 : vector<16xf32>
      %add3A_352 = arith.constant 12 : i32
      %add3A_353 = vector.broadcast %add3A_352 : i32 to vector<16xi32>
      %add3A_354 = arith.addi %add3A_295, %add3A_353 : vector<16xi32>
      %gather3A_355 = tpu.vector_load_idx %arg11[%add3A_354] : memref<8192xf32, #tpu.memory_space<vmem>>[vector<16xi32>], vector<16xf32>,
      %add3A_356 = arith.addf %add3A_351, %gather3A_355 : vector<16xf32>
      %add3A_357 = arith.constant 13 : i32
      %add3A_358 = vector.broadcast %add3A_357 : i32 to vector<16xi32>
      %add3A_359 = arith.addi %add3A_295, %add3A_358 : vector<16xi32>
      %gather3A_360 = tpu.vector_load_idx %arg11[%add3A_359] : memref<8192xf32, #tpu.memory_space<vmem>>[vector<16xi32>], vector<16xf32>,
      %add3A_361 = arith.addf %add3A_356, %gather3A_360 : vector<16xf32>
      %add3A_362 = arith.constant 14 : i32
      %add3A_363 = vector.broadcast %add3A_362 : i32 to vector<16xi32>
      %add3A_364 = arith.addi %add3A_295, %add3A_363 : vector<16xi32>
      %gather3A_365 = tpu.vector_load_idx %arg11[%add3A_364] : memref<8192xf32, #tpu.memory_space<vmem>>[vector<16xi32>], vector<16xf32>,
      %add3A_366 = arith.addf %add3A_361, %gather3A_365 : vector<16xf32>
      %add3A_367 = arith.constant 15 : i32
      %add3A_368 = vector.broadcast %add3A_367 : i32 to vector<16xi32>
      %add3A_369 = arith.addi %add3A_295, %add3A_368 : vector<16xi32>
      %gather3A_370 = tpu.vector_load_idx %arg11[%add3A_369] : memref<8192xf32, #tpu.memory_space<vmem>>[vector<16xi32>], vector<16xf32>,
      %add3A_371 = arith.addf %add3A_366, %gather3A_370 : vector<16xf32>
      %max3A_372 = arith.constant -1.000000e+01 : f32
      %max3A_373 = vector.broadcast %max3A_372 : f32 to vector<16xf32>
      %max3A_374 = arith.maximumf %add3A_371, %max3A_373 : vector<16xf32>
      %min3A_375 = arith.constant 1.000000e+01 : f32
      %min3A_376 = vector.broadcast %min3A_375 : f32 to vector<16xf32>
      %min3A_377 = arith.minimumf %max3A_374, %min3A_376 : vector<16xf32>
      %neg3A_378 = arith.constant 0.000000e+00 : f32
      %neg3A_379 = vector.broadcast %neg3A_378 : f32 to vector<16xf32>
      %neg3A_380 = arith.subf %neg3A_379, %min3A_377 : vector<16xf32>
      %exp3A_381 = math.exp %neg3A_380 : vector<16xf32>
      %add3A_382 = arith.constant 1.000000e+00 : f32
      %add3A_383 = vector.broadcast %add3A_382 : f32 to vector<16xf32>
      %add3A_384 = arith.addf %add3A_383, %exp3A_381 : vector<16xf32>
      %div3A_385 = arith.constant 1.000000e+00 : f32
      %div3A_386 = vector.broadcast %div3A_385 : f32 to vector<16xf32>
      %div3A_387 = arith.divf %div3A_386, %add3A_384 : vector<16xf32>
      %mul3A_388 = arith.constant 16 : i32
      %mul3A_389 = arith.muli %scan3A_288, %mul3A_388 : i32
      %swap3A_390 = arith.index_cast %mul3A_389 : i32 to index
      %swap3A_391 = tpu.vector_load %arg12[%swap3A_390] {strides = array<i32>} : memref<512xf32, #tpu.memory_space<vmem>>, vector<16xf32>,
      tpu.vector_store %arg12[%swap3A_390], %div3A_387 {strides = array<i32>} : memref<512xf32, #tpu.memory_space<vmem>>, vector<16xf32>,
    }
    %scan3A_189 = arith.constant 32 : i32
    "tpu.region"() ({
      %run_scoped3A = tpu.sem_alloc : memref<!tpu.dma_semaphore, #tpu.memory_space<semaphore_mem>>
      %dma_start3A_190 = tpu.memref_slice %arg6[%mul3A_2] : memref<16384xf32, #tpu.memory_space<hbm>> -> memref<512xf32, #tpu.memory_space<hbm>>
      %dma_start3A_191 = tpu.memref_slice %arg6[%mul3A_2] : memref<16384xf32, #tpu.memory_space<hbm>> -> memref<512xf32, #tpu.memory_space<hbm>>
      tpu.enqueue_dma source(%arg12 : memref<512xf32, #tpu.memory_space<vmem>>) target(%dma_start3A_191 : memref<512xf32, #tpu.memory_space<hbm>>) target_semaphore(%run_scoped3A : memref<!tpu.dma_semaphore, #tpu.memory_space<semaphore_mem>>)
      %dma_wait3A_192 = tpu.memref_slice %arg6[%mul3A_2] : memref<16384xf32, #tpu.memory_space<hbm>> -> memref<512xf32, #tpu.memory_space<hbm>>
      %dma_wait3A_193 = tpu.memref_slice %arg6[%mul3A_2] : memref<16384xf32, #tpu.memory_space<hbm>> -> memref<512xf32, #tpu.memory_space<hbm>>
      tpu.wait_dma2 semaphore(%run_scoped3A : memref<!tpu.dma_semaphore, #tpu.memory_space<semaphore_mem>>) src(%arg12 : memref<512xf32, #tpu.memory_space<vmem>>) dst(%dma_wait3A_193 : memref<512xf32, #tpu.memory_space<hbm>>)
      tpu.yield
    }) : () -> ()
    return
  }
}

</mosaic_0001>

<sc_bundles>
// kernel: _mf_forward.3.cloned.1.call-start
scs
__scs_entry_jumppad:
0x0: {  	(pc) =	sbr.rel $0x88, $3  }
0x1: {  	(tag) =	ssettag $0x0;
	lr =	simm.s32 $0x1  }
0x2: {  	[smem:$0x3F9D] =	sst lr;
	_ =	strace $0xD0000000  }
0x3: {  	_ = 	snop  }
0x4: {  	_ = 	snop  }
0x5: {  	_ = 	snop  }
0x6: {  	_ = 	snop  }
0x7: {  	_ = 	snop  }
__scs_overlays_trampoline_lowered:
0x8: {  	[smem:$0x3FAC] =	sst s0  }
0x9: {  	[smem:$0x3FAD] =	sst s1  }
0xa: {  	[smem:$0x3FAE] =	sst s2  }
0xb: {  	[smem:$0x3FAF] =	sst s3  }
0xc: {  	[smem:$0x3FB0] =	sst s4  }
0xd: {  	[smem:$0x3FB1] =	sst s5  }
0xe: {  	[smem:$0x3FB2] =	sst s6  }
0xf: {  	[smem:$0x3FB3] =	sst s7  }
0x10: {  	[smem:$0x3FB4] =	sst s8  }
0x11: {  	[smem:$0x3FB5] =	sst s9;
	s0 =	simm.s32 @!p0 $0x0  }
0x12: {  	s1 =	sld [smem:$0x3F9B];
	s0 =	simm.s32 @p0 $0x1  }
0x13: {  	[smem:$0x3FB6] =	sst s0;
	s0 =	simm.s32 @!p1 $0x0  }
0x14: {  	s2 =	sld [smem:$0x3F9A];
	s0 =	simm.s32 @p1 $0x1  }
0x15: {  	[smem:$0x3FB7] =	sst s0;
	s0 =	simm.s32 @!p2 $0x0  }
0x16: {  	s3 =	sld [smem:$0x3FDB];
	s0 =	simm.s32 @p2 $0x1  }
0x17: {  	s4 =	simm.s32 $0x1BF5;
	[smem:$0x3FB9] =	sst s0  }
0x18: {  	s0 =	sld [smem:$0x3F9C];
	_ =	swait.ge [sflag:s4], $0x0  }
0x19: {  	s7 =	sld [smem:$0x3F9D]  }
0x1a: {  	s8 =	sadd.s32 $0xFFFFE003, lr  }
0x1b: {  	s9 =	sadd.s32 $0xFFFFFEF7, lr;
	s5 =	simm.s32 $0xFFFFFFFF;
	p2 =	slt.u32 s8, $0xFFFFF086  }
0x1c: {  	p1 =	slt.u32 s9, $0xF7A;
	s5 =	simm.s32 @!p2 $0x0  }
0x1d: {  	s5 =	simm.s32 @p1 $0x1;
	p0 =	seq.s32 s7, s2  }
0x1e: {  	s7 =	smul.u32 @!p0 $0xF7A, s2;
	p2 =	seq.s32 @!p0 s5, $0x0  }
0x1f: {  	s9 =	smul.u32 $0xF7A, s1;
	s8 =	simm.s32 @!p0 $0x1BF5;
	p2 =	por !p2, p0  }
0x20: {  	[sflag:s8] =	ssyncset.s32 @!p0 $0xFFFFF086;
	s6 =	sadd.s32 @!p0 s3, s7;
	s7 =	simm.s32 @!p0 $0x108  }
0x21: {  	s3 =	sadd.s32 s3, s9;
	s6 =	sadd.s32 @!p0 $0x88, s6;
	s7 =	simm.s32 @p2 $0x1082  }
0x22: {  	[simem:s7], [sflag:s8] =	dma.local @!p0 [hbm:s6], $0xF7A  }
0x23: {  	s9 =	sor.u32 $0xD0000000, s2;
	s6 =	simm.s32 $0x108;
	_ =	swait.ge @!p0 [sflag:s8], $0x0  }
0x24: {  	s3 =	sadd.s32 $0x88, s3;
	s6 =	simm.s32 @!p1 $0x1082;
	[sflag:s4] =	ssyncset.s32 $0xFFFFF086  }
0x25: {  	[simem:s6], [sflag:s4] =	dma.local [hbm:s3], $0xF7A  }
0x26: {  	[smem:$0x3F9D] =	sst s1;
	(tag) =	ssettag s2;
	_ =	strace s9  }
0x27: {  	s1 =	sld [smem:$0x3FAD]  }
0x28: {  	s2 =	sld [smem:$0x3FAE]  }
0x29: {  	s4 =	sld [smem:$0x3FB0]  }
0x2a: {  	p0 =	seq.s32 s5, $0x0;
	s5 =	sld [smem:$0x3FB1]  }
0x2b: {  	s6 =	sld [smem:$0x3FB2]  }
0x2c: {  	s7 =	sld [smem:$0x3FB3]  }
0x2d: {  	s3 =	simm.s32 $0x108;
	s8 =	sld [smem:$0x3FB4]  }
0x2e: {  	s3 =	simm.s32 @!p0 $0x1082;
	s9 =	sld [smem:$0x3FB5]  }
0x2f: {  	lr =	sadd.s32 s0, s3;
	s0 =	sld [smem:$0x3FAC]  }
0x30: {  	s3 =	sld [smem:$0x3FAF]  }
0x31: {  	[smem:$0x3FB8] =	sst s10  }
0x32: {  	s10 =	sld [smem:$0x3FB6];
	_ =	sdelay $0x3  }
0x33: {  	p0 =	seq.s32 s10, $0x1;
	s10 =	sld [smem:$0x3FB8];
	_ =	sdelay $0x3  }
0x34: {  	[smem:$0x3FB8] =	sst s10  }
0x35: {  	s10 =	sld [smem:$0x3FB7];
	_ =	sdelay $0x3  }
0x36: {  	p1 =	seq.s32 s10, $0x1;
	s10 =	sld [smem:$0x3FB8];
	_ =	sdelay $0x3  }
0x37: {  	[smem:$0x3FB8] =	sst s10  }
0x38: {  	s10 =	sld [smem:$0x3FB9]  }
0x39: {  	_ = 	snop;
	(pc) =	sbr.ind lr, $3  }
0x3a: {  	_ = 	snop  }
0x3b: {  	_ = 	snop  }
0x3c: {  	p2 =	seq.s32 s10, $0x1;
	s10 =	sld [smem:$0x3FB8]  }
0x3d: {  	_ =	shalt  }
0x3e: {  	_ =	shalt  }
0x3f: {  	_ =	shalt  }
0x40: {  	_ =	shalt  }
0x41: {  	_ =	shalt  }
0x42: {  	_ =	shalt  }
0x43: {  	_ =	shalt  }
0x44: {  	_ =	shalt  }
0x45: {  	_ =	shalt  }
0x46: {  	_ =	shalt  }
0x47: {  	_ =	shalt  }
0x48: {  	_ =	shalt  }
0x49: {  	_ =	shalt  }
0x4a: {  	_ =	shalt  }
0x4b: {  	_ =	shalt  }
0x4c: {  	_ =	shalt  }
0x4d: {  	_ =	shalt  }
0x4e: {  	_ =	shalt  }
0x4f: {  	_ =	shalt  }
0x50: {  	_ =	shalt  }
0x51: {  	_ =	shalt  }
0x52: {  	_ =	shalt  }
0x53: {  	_ =	shalt  }
0x54: {  	_ =	shalt  }
0x55: {  	_ =	shalt  }
0x56: {  	_ =	shalt  }
0x57: {  	_ =	shalt  }
0x58: {  	_ =	shalt  }
0x59: {  	_ =	shalt  }
0x5a: {  	_ =	shalt  }
0x5b: {  	_ =	shalt  }
0x5c: {  	_ =	shalt  }
0x5d: {  	_ =	shalt  }
0x5e: {  	_ =	shalt  }
0x5f: {  	_ =	shalt  }
0x60: {  	_ =	shalt  }
0x61: {  	_ =	shalt  }
0x62: {  	_ =	shalt  }
0x63: {  	_ =	shalt  }
0x64: {  	_ =	shalt  }
0x65: {  	_ =	shalt  }
0x66: {  	_ =	shalt  }
0x67: {  	_ =	shalt  }
0x68: {  	_ =	shalt  }
0x69: {  	_ =	shalt  }
0x6a: {  	_ =	shalt  }
0x6b: {  	_ =	shalt  }
0x6c: {  	_ =	shalt  }
0x6d: {  	_ =	shalt  }
0x6e: {  	_ =	shalt  }
0x6f: {  	_ =	shalt  }
0x70: {  	_ =	shalt  }
0x71: {  	_ =	shalt  }
0x72: {  	_ =	shalt  }
0x73: {  	_ =	shalt  }
0x74: {  	_ =	shalt  }
0x75: {  	_ =	shalt  }
0x76: {  	_ =	shalt  }
0x77: {  	_ =	shalt  }
0x78: {  	_ =	shalt  }
0x79: {  	_ =	shalt  }
0x7a: {  	_ =	shalt  }
0x7b: {  	_ =	shalt  }
0x7c: {  	_ =	shalt  }
0x7d: {  	_ =	shalt  }
0x7e: {  	_ =	shalt  }
0x7f: {  	_ =	shalt  }
0x80: {  	_ =	shalt  }
0x81: {  	_ =	shalt  }
0x82: {  	_ =	shalt  }
0x83: {  	_ =	shalt  }
0x84: {  	_ =	shalt  }
0x85: {  	_ =	shalt  }
0x86: {  	_ =	shalt  }
0x87: {  	_ =	shalt  }
.Lfunc_end0:
.L_simem_size_0:
called_computation_lowered:
.L_overlay_start_0:
0x88: {  	s2 =	sld [smem:$0x3FD9]  }
0x89: {  	s3 =	sld [smem:$0x3FFE];
	_ =	sdelay $0x1  }
0x8a: {  	s1 =	srdreg.scid  }
0x8b: {  	s0 =	sand.u32 $0x1, s1  }
0x8c: {  	s17 =	sshll.u32 s0, $0xA;
	s2 =	sadd.s32 s3, s2  }
0x8d: {  	s2 =	sadd.s32 s2, s17  }
0x8e: {  	[smem:$0x3FC4] =	sst s2  }
0x8f: {  	_ = 	snop  }
0x90: {  	s2 =	sld [smem:$0x3FC9]  }
0x91: {  	s18 =	sld [smem:$0x3FC8]  }
0x92: {  	s4 =	sld [smem:$0x3FD0];
	(tm) =	ssettm $0x1  }
0x93: {  	s5 =	sld [smem:$0x3FFB];
	_ =	sdelay $0x3  }
0x94: {  	_ =	strace s5  }
0x95: {  	s5 =	sld [smem:$0x3FFC];
	_ =	sdelay $0x3  }
0x96: {  	_ =	strace s5  }
0x97: {  	s5 =	sld [smem:$0x3FFD];
	_ =	sdelay $0x3  }
0x98: {  	_ =	strace s5  }
0x99: {  	_ =	strace $0x8FFFFFFF  }
0x9a: {  	s19 =	sld [smem:$0x3FDB];
	_ =	sdelay $0x1  }
0x9b: {  	s6 =	simm.s32 $_scs_section_size  }
0x9c: {  	s7 =	simm.s32 $_size__tile_overlayer_lowered;
	s8 =	simm.s32 $_tile_overlayer_lowered  }
0x9d: {  	s22 =	simm.s32 $0x1BFF;
	s21 =	sshll.u32 s8, $0x1;
	s5 =	sadd.s32 s6, s19  }
0x9e: {  	s9 =	simm.s32 $0x0;
	s20 =	sshll.u32 s7, $0x1;
	s7 =	sadd.s32 s21, s5  }
0x9f: {  	[timem:s9], [sflag:s22] =	dma.local [hbm:s7], s20  }
0xa0: {  	_ =	swait.ge [sflag:s22], s20  }
0xa1: {  	s6 =	ssub.s32 $0x0, s20;
	[sflag:s22] =	ssyncset.done $0x0  }
0xa2: {  	[sflag:s22] =	ssyncadd.s32 s6;
	_ =	sdelay $0x1  }
0xa3: {  	s23 =	simm.s32 $0x1B8B  }
0xa4: {  	_ =	swait.ge [sflag:s23], $0x1  }
0xa5: {  	[sflag:s23] =	ssyncset.done $0x0  }
0xa6: {  	s25 =	simm.s32 $0x1B8E;
	s24 =	sld [smem:$0x3FFE];
	[sflag:s23] =	ssyncadd.s32 $0xFFFFFFFF  }
0xa7: {  	s26 =	simm.s32 $execute0_lowered;
	[smem:$0x3FD2] =	sst s25  }
0xa8: {  	s7 =	sshll.u32 s26, $0x1;
	_ =	strace $0x80000046;
	[dreg:$0x1] =	wrdreg $0xFFFFFFFF  }
0xa9: {  	s28 =	simm.s32 $_size_execute0_lowered;
	s5 =	sadd.s32 s5, s7;
	[dreg:$0x0] =	wrdreg $0x0  }
0xaa: {  	s7 =	sshll.u32 s28, $0x1;
	[dreg:$0x2] =	wrdreg s5  }
0xab: {  	[dreg:$0x3] =	wrdreg s7  }
0xac: {  	[dreg:$0x4] =	wrdreg $0xC0  }
0xad: {  	_ =	task [dreg:s9], $0x5FFFF  }
0xae: {  	[dreg:$0x1] =	wrdreg $0xFFFFFFFF  }
0xaf: {  	[dreg:$0x0] =	wrdreg $0x60  }
0xb0: {  	[dreg:$0x2] =	wrdreg s2  }
0xb1: {  	[dreg:$0x3] =	wrdreg s18  }
0xb2: {  	[dreg:$0x4] =	wrdreg s24  }
0xb3: {  	[dreg:$0x5] =	wrdreg s4  }
0xb4: {  	[dreg:$0x6] =	wrdreg $0x9  }
0xb5: {  	_ =	task.clear_ibuf [dreg:s9], $0x7FFFF;
	_ =	strace $0x90000046  }
0xb6: {  	s29 =	simm.s32 $0x9;
	_ =	strace $0x80000048  }
0xb7: {  	_ =	swait.ge [sflag:s29], $0x1  }
0xb8: {  	[sflag:s29] =	ssyncadd.s32 $0xFFFFFFFF  }
0xb9: {  	_ =	strace $0x90000048  }
0xba: {  	_ =	sfence  }
0xbb: {  	s30 =	sld [smem:$0x0];
	_ =	sdelay $0x2  }
0xbc: {  	s31 =	sshll.u32 s1, $0xD;
	s1 =	sshrl.u32 s1, $0x2  }
0xbd: {  	s3 =	sand.u32 $0x4000, s31;
	s1 =	sadd.s32 s1, s30  }
0xbe: {  	s0 =	sor.u32 s3, s0;
	s1 =	sshll.u32 s1, $0x11  }
0xbf: {  	s0 =	sor.u32 s1, s0  }
0xc0: {  	s0 =	sadd.s32 $0x8F2B, s0  }
0xc1: {  	[sflag:s0] =	ssyncadd.remote.s32 $0x1  }
0xc2: {  	_ =	sfence.sel $0xFFFF  }
0xc3: {  	[dreg:$0x0] =	wrdreg $0xFFFFFFFF;
	(pc) =	sbr.abs _section_cstart, $3  }
0xc4: {  	[dreg:$0x1] =	wrdreg $0xFFFFFFFF  }
0xc5: {  	_ =	task.clear_ibuf [dreg:s9], $0x2FFFF;
	_ =	strace $0x9FFFFFFF  }
0xc6: {  	(tm) =	ssettm $0x7FFFFFFF  }
0xc7: {  	_ =	shalt  }
tec
execute0_lowered:
.L_overlay_start_1:
0x0: {  	(tag) =	ssettag $0x1  }
0x1: {  	s0 =	rddreg [dreg:$0x0]  }
0x2: {  	s1 =	rddreg [dreg:$0x1]  }
0x3: {  	s4 =	rddreg [dreg:$0x2]  }
0x4: {  	s7 =	rddreg [dreg:$0x3];
	s2 =	simm.s32 $0x0  }
0x5: {  	s3 =	srdreg.scid;
	s6 =	stileid.u32;
	s10 =	simm.s32 $0x200  }
0x6: {  	s11 =	simm.s32 $0x80;
	s18 =	simm.s32 $0x2400;
	s19 =	simm.s32 $0x300  }
0x7: {  	s20 =	simm.s32 $0x6400;
	s21 =	simm.s32 $0x180;
	s22 =	simm.s32 $0x3400  }
0x8: {  	v0 =	vlaneseq.u32;
	s23 =	simm.s32 $0x380;
	s24 =	simm.s32 $0x7400;
	s25 =	simm.s32 $0x1  }
0x9: {  	s26 =	simm.s32 $0x2;
	s28 =	simm.s32 $0x8400;
	s29 =	simm.s32 $0xA400;
	v0 =	vmul.u32 $0x10, v0  }
0xa: {  	s30 =	simm.s32 $0x0;
	s17 =	simm.s32 $0x100;
	[smem:$0x7FF] =	sst s2  }
0xb: {  	s3 =	sand.u32 $0x1, s3;
	s6 =	sshll.u32 s6, $0x7;
	_ =	strace $0x80000047;
	v1 =	vor.u32 $0x1, v0;
	v2 =	vor.u32 $0x2, v0;
	v3 =	vor.u32 $0x3, v0  }
0xc: {  	s5 =	ssub.s32 $0x2, s3;
	s8 =	sshll.u32 s3, $0x6;
	s3 =	sadd.s32 $0xF42C00, s4;
	v4 =	vor.u32 $0x4, v0;
	v5 =	vor.u32 $0x5, v0;
	v6 =	vor.u32 $0x6, v0  }
0xd: {  	s4 =	sadd.s32 $0x187200, s4;
	s9 =	sshrl.u32 s5, $0x1;
	s8 =	sor.u32 s8, s6;
	v7 =	vor.u32 $0x7, v0;
	v8 =	vor.u32 $0x8, v0;
	v9 =	vor.u32 $0x9, v0  }
0xe: {  	v10 =	vor.u32 $0xA, v0;
	v11 =	vor.u32 $0xB, v0;
	v12 =	vor.u32 $0xC, v0;
	s9 =	ssub.s32 s5, s9;
	s5 =	sadd.s32 s0, s8;
	s6 =	sadd.s32 s1, s8  }
0xf: {  	v13 =	vor.u32 $0xD, v0;
	v14 =	vor.u32 $0xE, v0;
	v15 =	vor.u32 $0xF, v0;
	s7 =	sadd.s32 s7, s8;
	s8 =	smax.u32 s9, $0x1;
	s9 =	simm.s32 $0x3  }
.LBB2_1:
0x10: {  	[tilespmem:s2], [sflag:$0x3] =	stream.linear.gather [hbm4b:s5+s2], $0x200, $0x38;
	[tilespmem:$0xA600] =	vst v63  }
0x11: {  	_ =	swait.ge [sflag:s9], $0x200  }
0x12: {  	[sflag:s9] =	ssyncset.done $0x0  }
0x13: {  	[sflag:s9] =	ssyncadd.s32 $0xFFFFFE00  }
0x14: {  	[tilespmem:s10], [sflag:$0x3] =	stream.linear.gather [hbm4b:s6+s2], $0x200, $0x38;
	[tilespmem:$0xA600] =	vst v63  }
0x15: {  	_ =	swait.ge [sflag:s9], $0x200  }
0x16: {  	[sflag:s9] =	ssyncset.done $0x0  }
0x17: {  	s0 =	simm.s32 $0x400;
	[sflag:s9] =	ssyncadd.s32 $0xFFFFFE00  }
0x18: {  	[tilespmem:s0], [sflag:$0x1] =	stream.indirect.gather [hbm4b:s3+s11], $0x20, s2, s11, $0xb8;
	[tilespmem:$0xA600] =	vst v63  }
0x19: {  	s14 =	simm.s32 $0x4400  }
0x1a: {  	[tilespmem:s14], [sflag:$0x2] =	stream.indirect.gather [hbm4b:s4+s11], $0x20, s10, s11, $0xb8;
	[tilespmem:$0xA600] =	vst v63  }
0x1b: {  	s15 =	simm.s32 $0x1400  }
0x1c: {  	[tilespmem:s15], [sflag:$0x1] =	stream.indirect.gather [hbm4b:s3+s11], $0x20, s11, s11, $0xb8;
	[tilespmem:$0xA600] =	vst v63  }
0x1d: {  	s16 =	simm.s32 $0x280;
	s1 =	simm.s32 $0x5400  }
0x1e: {  	[tilespmem:s1], [sflag:$0x2] =	stream.indirect.gather [hbm4b:s4+s11], $0x20, s16, s11, $0xb8;
	[tilespmem:$0xA600] =	vst v63  }
0x1f: {  	s31 =	simm.s32 $0x100  }
0x20: {  	[tilespmem:s18], [sflag:$0x1] =	stream.indirect.gather [hbm4b:s3+s11], $0x20, s31, s11, $0xb8;
	[tilespmem:$0xA600] =	vst v63  }
0x21: {  	_ = 	snop  }
0x22: {  	[tilespmem:s20], [sflag:$0x2] =	stream.indirect.gather [hbm4b:s4+s11], $0x20, s19, s11, $0xb8;
	[tilespmem:$0xA600] =	vst v63  }
0x23: {  	_ = 	snop  }
0x24: {  	[tilespmem:s22], [sflag:$0x1] =	stream.indirect.gather [hbm4b:s3+s11], $0x20, s21, s11, $0xb8;
	[tilespmem:$0xA600] =	vst v63  }
0x25: {  	_ = 	snop  }
0x26: {  	[tilespmem:s24], [sflag:$0x2] =	stream.indirect.gather [hbm4b:s4+s11], $0x20, s23, s11, $0xb8;
	[tilespmem:$0xA600] =	vst v63  }
0x27: {  	_ =	swait.ge [sflag:s25], $0x1000  }
0x28: {  	[sflag:s25] =	ssyncset.done $0x0  }
0x29: {  	[sflag:s25] =	ssyncadd.s32 $0xFFFFF000  }
0x2a: {  	_ =	swait.ge [sflag:s26], $0x1000  }
0x2b: {  	[sflag:s26] =	ssyncset.done $0x0  }
0x2c: {  	s1 =	simm.s32 $0x480;
	[sflag:s26] =	ssyncadd.s32 $0xFFFFF000  }
0x2d: {  	s0 =	simm.s32 $0x4480;
	v16 =	vld [tilespmem:s1+$0xFFFFFF80]  }
0x2e: {  	v17 =	vld [tilespmem:s0+$0xFFFFFF90]  }
0x2f: {  	v18 =	vld [tilespmem:s0+$0xFFFFFF80]  }
0x30: {  	v19 =	vld [tilespmem:s1+$0xFFFFFF90];
	_ =	sdelay $0x4  }
0x31: {  	v16 =	vmul.f32 v18, v16;
	v17 =	vmul.f32 v17, v19;
	_ =	sdelay $0x1  }
0x32: {  	v16 =	vadd.f32 v17, v16  }
0x33: {  	s12 =	simm.s32 $0x8440  }
0x34: {  	[tilespmem:s12+$0xFFFFFFC0] =	vst v16  }
0x35: {  	v16 =	vld [tilespmem:s0+$0xFFFFFFB0]  }
0x36: {  	v17 =	vld [tilespmem:s0+$0xFFFFFFA0]  }
0x37: {  	v18 =	vld [tilespmem:s1+$0xFFFFFFB0]  }
0x38: {  	v19 =	vld [tilespmem:s1+$0xFFFFFFA0];
	_ =	sdelay $0x4  }
0x39: {  	v16 =	vmul.f32 v16, v18;
	v17 =	vmul.f32 v17, v19;
	_ =	sdelay $0x1  }
0x3a: {  	v16 =	vadd.f32 v16, v17;
	_ =	sdelay $0x1  }
0x3b: {  	[tilespmem:s12+$0xFFFFFFD0] =	vst v16  }
0x3c: {  	v16 =	vld [tilespmem:s0+$0xFFFFFFC0]  }
0x3d: {  	v17 =	vld [tilespmem:s1+$0xFFFFFFD0]  }
0x3e: {  	v18 =	vld [tilespmem:s1+$0xFFFFFFC0]  }
0x3f: {  	v19 =	vld [tilespmem:s0+$0xFFFFFFD0];
	_ =	sdelay $0x4  }
0x40: {  	v16 =	vmul.f32 v16, v18;
	v17 =	vmul.f32 v19, v17;
	_ =	sdelay $0x1  }
0x41: {  	v16 =	vadd.f32 v17, v16;
	_ =	sdelay $0x1  }
0x42: {  	[tilespmem:s12+$0xFFFFFFE0] =	vst v16  }
0x43: {  	v16 =	vld [tilespmem:s0+$0xFFFFFFE0]  }
0x44: {  	v17 =	vld [tilespmem:s1+$0xFFFFFFF0]  }
0x45: {  	v18 =	vld [tilespmem:s1+$0xFFFFFFE0]  }
0x46: {  	v19 =	vld [tilespmem:s0+$0xFFFFFFF0];
	_ =	sdelay $0x4  }
0x47: {  	v16 =	vmul.f32 v16, v18;
	v17 =	vmul.f32 v19, v17;
	_ =	sdelay $0x1  }
0x48: {  	v16 =	vadd.f32 v17, v16;
	_ =	sdelay $0x1  }
0x49: {  	[tilespmem:s12+$0xFFFFFFF0] =	vst v16  }
0x4a: {  	v16 =	vld [tilespmem:s0+$0x0]  }
0x4b: {  	v17 =	vld [tilespmem:s0+$0x10]  }
0x4c: {  	v18 =	vld [tilespmem:s1+$0x10]  }
0x4d: {  	v19 =	vld [tilespmem:s1+$0x0];
	_ =	sdelay $0x4  }
0x4e: {  	v17 =	vmul.f32 v17, v18;
	v16 =	vmul.f32 v16, v19;
	_ =	sdelay $0x1  }
0x4f: {  	v16 =	vadd.f32 v17, v16;
	_ =	sdelay $0x1  }
0x50: {  	[tilespmem:s12+$0x0] =	vst v16  }
0x51: {  	v16 =	vld [tilespmem:s0+$0x30]  }
0x52: {  	v17 =	vld [tilespmem:s0+$0x20]  }
0x53: {  	v18 =	vld [tilespmem:s1+$0x30]  }
0x54: {  	v19 =	vld [tilespmem:s1+$0x20];
	_ =	sdelay $0x4  }
0x55: {  	v16 =	vmul.f32 v16, v18;
	v17 =	vmul.f32 v17, v19;
	_ =	sdelay $0x1  }
0x56: {  	v16 =	vadd.f32 v16, v17;
	_ =	sdelay $0x1  }
0x57: {  	[tilespmem:s12+$0x10] =	vst v16  }
0x58: {  	v16 =	vld [tilespmem:s1+$0x50]  }
0x59: {  	v17 =	vld [tilespmem:s0+$0x40]  }
0x5a: {  	s13 =	simm.s32 $0x8440;
	v18 =	vld [tilespmem:s1+$0x40]  }
0x5b: {  	s14 =	simm.s32 $0x480;
	s15 =	simm.s32 $0x0;
	s16 =	simm.s32 $0x4580;
	v19 =	vld [tilespmem:s0+$0x50]  }
.LBB2_2:
0x5c: {  	s15 =	sadd.s32 $0x8, s15;
	s12 =	sadd.s32 $0x80, s12;
	s1 =	sadd.s32 $0x100, s1  }
0x5d: {  	p0 =	slt.u32 s15, $0x78;
	_ =	sdelay $0x1  }
0x5e: {  	v17 =	vmul.f32 v17, v18  }
0x5f: {  	v16 =	vmul.f32 v19, v16;
	_ =	sdelay $0x1  }
0x60: {  	v16 =	vadd.f32 v16, v17;
	_ =	sdelay $0x1  }
0x61: {  	[tilespmem:s13+$0x20] =	vst v16  }
0x62: {  	v16 =	vld [tilespmem:s14+$0x60]  }
0x63: {  	v17 =	vld [tilespmem:s0+$0x70]  }
0x64: {  	v18 =	vld [tilespmem:s14+$0x70];
	s14 =	smov.u32 s1  }
0x65: {  	v19 =	vld [tilespmem:s0+$0x60];
	s0 =	smov.u32 s16;
	_ =	sdelay $0x3  }
0x66: {  	v17 =	vmul.f32 v17, v18  }
0x67: {  	v16 =	vmul.f32 v19, v16;
	_ =	sdelay $0x1  }
0x68: {  	v16 =	vadd.f32 v17, v16;
	_ =	sdelay $0x1  }
0x69: {  	[tilespmem:s13+$0x30] =	vst v16;
	s13 =	smov.u32 s12  }
0x6a: {  	v16 =	vld [tilespmem:s1+$0xFFFFFF80]  }
0x6b: {  	v17 =	vld [tilespmem:s16+$0xFFFFFF90]  }
0x6c: {  	v18 =	vld [tilespmem:s16+$0xFFFFFF80]  }
0x6d: {  	v19 =	vld [tilespmem:s1+$0xFFFFFF90];
	_ =	sdelay $0x3  }
0x6e: {  	v16 =	vmul.f32 v18, v16  }
0x6f: {  	v17 =	vmul.f32 v17, v19;
	_ =	sdelay $0x1  }
0x70: {  	v16 =	vadd.f32 v17, v16;
	_ =	sdelay $0x1  }
0x71: {  	[tilespmem:s12+$0xFFFFFFC0] =	vst v16  }
0x72: {  	v16 =	vld [tilespmem:s16+$0xFFFFFFB0]  }
0x73: {  	v17 =	vld [tilespmem:s16+$0xFFFFFFA0]  }
0x74: {  	v18 =	vld [tilespmem:s1+$0xFFFFFFB0]  }
0x75: {  	v19 =	vld [tilespmem:s1+$0xFFFFFFA0];
	_ =	sdelay $0x3  }
0x76: {  	v16 =	vmul.f32 v16, v18  }
0x77: {  	v17 =	vmul.f32 v17, v19;
	_ =	sdelay $0x1  }
0x78: {  	v16 =	vadd.f32 v16, v17;
	_ =	sdelay $0x1  }
0x79: {  	[tilespmem:s12+$0xFFFFFFD0] =	vst v16  }
0x7a: {  	v16 =	vld [tilespmem:s16+$0xFFFFFFC0]  }
0x7b: {  	v17 =	vld [tilespmem:s1+$0xFFFFFFD0]  }
0x7c: {  	v18 =	vld [tilespmem:s1+$0xFFFFFFC0]  }
0x7d: {  	v19 =	vld [tilespmem:s16+$0xFFFFFFD0];
	_ =	sdelay $0x3  }
0x7e: {  	v16 =	vmul.f32 v16, v18  }
0x7f: {  	v17 =	vmul.f32 v19, v17;
	_ =	sdelay $0x1  }
0x80: {  	v16 =	vadd.f32 v17, v16;
	_ =	sdelay $0x1  }
0x81: {  	[tilespmem:s12+$0xFFFFFFE0] =	vst v16  }
0x82: {  	v16 =	vld [tilespmem:s16+$0xFFFFFFE0]  }
0x83: {  	v17 =	vld [tilespmem:s1+$0xFFFFFFF0]  }
0x84: {  	v18 =	vld [tilespmem:s1+$0xFFFFFFE0]  }
0x85: {  	v19 =	vld [tilespmem:s16+$0xFFFFFFF0];
	_ =	sdelay $0x3  }
0x86: {  	v16 =	vmul.f32 v16, v18  }
0x87: {  	v17 =	vmul.f32 v19, v17;
	_ =	sdelay $0x1  }
0x88: {  	v16 =	vadd.f32 v17, v16;
	_ =	sdelay $0x1  }
0x89: {  	[tilespmem:s12+$0xFFFFFFF0] =	vst v16  }
0x8a: {  	v16 =	vld [tilespmem:s16+$0x0]  }
0x8b: {  	v17 =	vld [tilespmem:s16+$0x10]  }
0x8c: {  	v18 =	vld [tilespmem:s1+$0x10]  }
0x8d: {  	v19 =	vld [tilespmem:s1+$0x0];
	_ =	sdelay $0x3  }
0x8e: {  	v17 =	vmul.f32 v17, v18  }
0x8f: {  	v16 =	vmul.f32 v16, v19;
	_ =	sdelay $0x1  }
0x90: {  	v16 =	vadd.f32 v17, v16;
	_ =	sdelay $0x1  }
0x91: {  	[tilespmem:s12+$0x0] =	vst v16  }
0x92: {  	v16 =	vld [tilespmem:s16+$0x30]  }
0x93: {  	v17 =	vld [tilespmem:s16+$0x20]  }
0x94: {  	v18 =	vld [tilespmem:s1+$0x30]  }
0x95: {  	v19 =	vld [tilespmem:s1+$0x20];
	_ =	sdelay $0x3  }
0x96: {  	v16 =	vmul.f32 v16, v18  }
0x97: {  	v17 =	vmul.f32 v17, v19;
	_ =	sdelay $0x1  }
0x98: {  	v16 =	vadd.f32 v16, v17;
	_ =	sdelay $0x1  }
.Ltmp0:
0x99: {  	[tilespmem:s12+$0x10] =	vst v16;
	(pc) =	sbr.rel @p0 .LBB2_2-.Ltmp0, $4  }
0x9a: {  	v16 =	vld [tilespmem:s1+$0x50]  }
0x9b: {  	v17 =	vld [tilespmem:s16+$0x40]  }
0x9c: {  	v18 =	vld [tilespmem:s1+$0x40]  }
0x9d: {  	s16 =	sadd.s32 $0x100, s16;
	v19 =	vld [tilespmem:s0+$0x50]  }
0x9e: {  	_ =	sdelay $0x3  }
0x9f: {  	v17 =	vmul.f32 v17, v18;
	v16 =	vmul.f32 v19, v16;
	_ =	sdelay $0x1  }
0xa0: {  	v16 =	vadd.f32 v16, v17;
	_ =	sdelay $0x1  }
0xa1: {  	[tilespmem:s13+$0x20] =	vst v16  }
0xa2: {  	v16 =	vld [tilespmem:s14+$0x60]  }
0xa3: {  	v17 =	vld [tilespmem:s0+$0x70]  }
0xa4: {  	v18 =	vld [tilespmem:s14+$0x70]  }
0xa5: {  	v19 =	vld [tilespmem:s0+$0x60];
	_ =	sdelay $0x4  }
0xa6: {  	v17 =	vmul.f32 v17, v18;
	v16 =	vmul.f32 v19, v16;
	_ =	sdelay $0x1  }
0xa7: {  	v16 =	vadd.f32 v17, v16;
	_ =	sdelay $0x1  }
0xa8: {  	[tilespmem:s13+$0x30] =	vst v16  }
0xa9: {  	_ =	swait.ge [sflag:s25], $0x1000  }
0xaa: {  	[sflag:s25] =	ssyncset.done $0x0  }
0xab: {  	[sflag:s25] =	ssyncadd.s32 $0xFFFFF000  }
0xac: {  	_ =	swait.ge [sflag:s26], $0x1000  }
0xad: {  	[sflag:s26] =	ssyncset.done $0x0  }
0xae: {  	s1 =	simm.s32 $0x14F0;
	[sflag:s26] =	ssyncadd.s32 $0xFFFFF000  }
0xaf: {  	s0 =	simm.s32 $0x54F0;
	v16 =	vld [tilespmem:s1+$0xFFFFFF10]  }
0xb0: {  	v17 =	vld [tilespmem:s0+$0xFFFFFF20]  }
0xb1: {  	v18 =	vld [tilespmem:s0+$0xFFFFFF10]  }
0xb2: {  	v19 =	vld [tilespmem:s1+$0xFFFFFF20];
	_ =	sdelay $0x4  }
0xb3: {  	v16 =	vmul.f32 v18, v16;
	v17 =	vmul.f32 v17, v19;
	_ =	sdelay $0x1  }
0xb4: {  	v16 =	vadd.f32 v17, v16  }
0xb5: {  	s12 =	simm.s32 $0x8C70  }
0xb6: {  	[tilespmem:s12+$0xFFFFFF90] =	vst v16  }
0xb7: {  	v16 =	vld [tilespmem:s0+$0xFFFFFF40]  }
0xb8: {  	v17 =	vld [tilespmem:s0+$0xFFFFFF30]  }
0xb9: {  	v18 =	vld [tilespmem:s1+$0xFFFFFF40]  }
0xba: {  	v19 =	vld [tilespmem:s1+$0xFFFFFF30];
	_ =	sdelay $0x4  }
0xbb: {  	v16 =	vmul.f32 v16, v18;
	v17 =	vmul.f32 v17, v19;
	_ =	sdelay $0x1  }
0xbc: {  	v16 =	vadd.f32 v16, v17;
	_ =	sdelay $0x1  }
0xbd: {  	[tilespmem:s12+$0xFFFFFFA0] =	vst v16  }
0xbe: {  	v16 =	vld [tilespmem:s0+$0xFFFFFF50]  }
0xbf: {  	v17 =	vld [tilespmem:s1+$0xFFFFFF60]  }
0xc0: {  	v18 =	vld [tilespmem:s1+$0xFFFFFF50]  }
0xc1: {  	v19 =	vld [tilespmem:s0+$0xFFFFFF60];
	_ =	sdelay $0x4  }
0xc2: {  	v16 =	vmul.f32 v16, v18;
	v17 =	vmul.f32 v19, v17;
	_ =	sdelay $0x1  }
0xc3: {  	v16 =	vadd.f32 v17, v16;
	_ =	sdelay $0x1  }
0xc4: {  	[tilespmem:s12+$0xFFFFFFB0] =	vst v16  }
0xc5: {  	v16 =	vld [tilespmem:s0+$0xFFFFFF70]  }
0xc6: {  	v17 =	vld [tilespmem:s1+$0xFFFFFF80]  }
0xc7: {  	v18 =	vld [tilespmem:s1+$0xFFFFFF70]  }
0xc8: {  	v19 =	vld [tilespmem:s0+$0xFFFFFF80];
	_ =	sdelay $0x4  }
0xc9: {  	v16 =	vmul.f32 v16, v18;
	v17 =	vmul.f32 v19, v17;
	_ =	sdelay $0x1  }
0xca: {  	v16 =	vadd.f32 v17, v16;
	_ =	sdelay $0x1  }
0xcb: {  	[tilespmem:s12+$0xFFFFFFC0] =	vst v16  }
0xcc: {  	v16 =	vld [tilespmem:s0+$0xFFFFFF90]  }
0xcd: {  	v17 =	vld [tilespmem:s0+$0xFFFFFFA0]  }
0xce: {  	v18 =	vld [tilespmem:s1+$0xFFFFFFA0]  }
0xcf: {  	v19 =	vld [tilespmem:s1+$0xFFFFFF90];
	_ =	sdelay $0x4  }
0xd0: {  	v17 =	vmul.f32 v17, v18;
	v16 =	vmul.f32 v16, v19;
	_ =	sdelay $0x1  }
0xd1: {  	v16 =	vadd.f32 v17, v16;
	_ =	sdelay $0x1  }
0xd2: {  	[tilespmem:s12+$0xFFFFFFD0] =	vst v16  }
0xd3: {  	v16 =	vld [tilespmem:s0+$0xFFFFFFC0]  }
0xd4: {  	v17 =	vld [tilespmem:s0+$0xFFFFFFB0]  }
0xd5: {  	v18 =	vld [tilespmem:s1+$0xFFFFFFC0]  }
0xd6: {  	v19 =	vld [tilespmem:s1+$0xFFFFFFB0];
	_ =	sdelay $0x4  }
0xd7: {  	v16 =	vmul.f32 v16, v18;
	v17 =	vmul.f32 v17, v19;
	_ =	sdelay $0x1  }
0xd8: {  	v16 =	vadd.f32 v16, v17;
	_ =	sdelay $0x1  }
0xd9: {  	[tilespmem:s12+$0xFFFFFFE0] =	vst v16  }
0xda: {  	v16 =	vld [tilespmem:s1+$0xFFFFFFE0]  }
0xdb: {  	v17 =	vld [tilespmem:s0+$0xFFFFFFD0]  }
0xdc: {  	s15 =	simm.s32 $0x80;
	v18 =	vld [tilespmem:s1+$0xFFFFFFD0]  }
0xdd: {  	s16 =	simm.s32 $0x55F0;
	s14 =	simm.s32 $0x14F0;
	s13 =	simm.s32 $0x8C70;
	v19 =	vld [tilespmem:s0+$0xFFFFFFE0]  }
.LBB2_4:
0xde: {  	s15 =	sadd.s32 $0x8, s15;
	s12 =	sadd.s32 $0x80, s12;
	s1 =	sadd.s32 $0x100, s1  }
0xdf: {  	p0 =	slt.u32 s15, $0xF8;
	_ =	sdelay $0x1  }
0xe0: {  	v17 =	vmul.f32 v17, v18  }
0xe1: {  	v16 =	vmul.f32 v19, v16;
	_ =	sdelay $0x1  }
0xe2: {  	v16 =	vadd.f32 v16, v17;
	_ =	sdelay $0x1  }
0xe3: {  	[tilespmem:s13+$0xFFFFFFF0] =	vst v16  }
0xe4: {  	v16 =	vld [tilespmem:s14+$0xFFFFFFF0]  }
0xe5: {  	v17 =	vld [tilespmem:s0+$0x0]  }
0xe6: {  	v18 =	vld [tilespmem:s14+$0x0];
	s14 =	smov.u32 s1  }
0xe7: {  	v19 =	vld [tilespmem:s0+$0xFFFFFFF0];
	s0 =	smov.u32 s16;
	_ =	sdelay $0x3  }
0xe8: {  	v17 =	vmul.f32 v17, v18  }
0xe9: {  	v16 =	vmul.f32 v19, v16;
	_ =	sdelay $0x1  }
0xea: {  	v16 =	vadd.f32 v17, v16;
	_ =	sdelay $0x1  }
0xeb: {  	[tilespmem:s13+$0x0] =	vst v16;
	s13 =	smov.u32 s12  }
0xec: {  	v16 =	vld [tilespmem:s1+$0xFFFFFF10]  }
0xed: {  	v17 =	vld [tilespmem:s16+$0xFFFFFF20]  }
0xee: {  	v18 =	vld [tilespmem:s16+$0xFFFFFF10]  }
0xef: {  	v19 =	vld [tilespmem:s1+$0xFFFFFF20];
	_ =	sdelay $0x3  }
0xf0: {  	v16 =	vmul.f32 v18, v16  }
0xf1: {  	v17 =	vmul.f32 v17, v19;
	_ =	sdelay $0x1  }
0xf2: {  	v16 =	vadd.f32 v17, v16;
	_ =	sdelay $0x1  }
0xf3: {  	[tilespmem:s12+$0xFFFFFF90] =	vst v16  }
0xf4: {  	v16 =	vld [tilespmem:s16+$0xFFFFFF40]  }
0xf5: {  	v17 =	vld [tilespmem:s16+$0xFFFFFF30]  }
0xf6: {  	v18 =	vld [tilespmem:s1+$0xFFFFFF40]  }
0xf7: {  	v19 =	vld [tilespmem:s1+$0xFFFFFF30];
	_ =	sdelay $0x3  }
0xf8: {  	v16 =	vmul.f32 v16, v18  }
0xf9: {  	v17 =	vmul.f32 v17, v19;
	_ =	sdelay $0x1  }
0xfa: {  	v16 =	vadd.f32 v16, v17;
	_ =	sdelay $0x1  }
0xfb: {  	[tilespmem:s12+$0xFFFFFFA0] =	vst v16  }
0xfc: {  	v16 =	vld [tilespmem:s16+$0xFFFFFF50]  }
0xfd: {  	v17 =	vld [tilespmem:s1+$0xFFFFFF60]  }
0xfe: {  	v18 =	vld [tilespmem:s1+$0xFFFFFF50]  }
0xff: {  	v19 =	vld [tilespmem:s16+$0xFFFFFF60];
	_ =	sdelay $0x3  }
0x100: {  	v16 =	vmul.f32 v16, v18  }
0x101: {  	v17 =	vmul.f32 v19, v17;
	_ =	sdelay $0x1  }
0x102: {  	v16 =	vadd.f32 v17, v16;
	_ =	sdelay $0x1  }
0x103: {  	[tilespmem:s12+$0xFFFFFFB0] =	vst v16  }
0x104: {  	v16 =	vld [tilespmem:s16+$0xFFFFFF70]  }
0x105: {  	v17 =	vld [tilespmem:s1+$0xFFFFFF80]  }
0x106: {  	v18 =	vld [tilespmem:s1+$0xFFFFFF70]  }
0x107: {  	v19 =	vld [tilespmem:s16+$0xFFFFFF80];
	_ =	sdelay $0x3  }
0x108: {  	v16 =	vmul.f32 v16, v18  }
0x109: {  	v17 =	vmul.f32 v19, v17;
	_ =	sdelay $0x1  }
0x10a: {  	v16 =	vadd.f32 v17, v16;
	_ =	sdelay $0x1  }
0x10b: {  	[tilespmem:s12+$0xFFFFFFC0] =	vst v16  }
0x10c: {  	v16 =	vld [tilespmem:s16+$0xFFFFFF90]  }
0x10d: {  	v17 =	vld [tilespmem:s16+$0xFFFFFFA0]  }
0x10e: {  	v18 =	vld [tilespmem:s1+$0xFFFFFFA0]  }
0x10f: {  	v19 =	vld [tilespmem:s1+$0xFFFFFF90];
	_ =	sdelay $0x3  }
0x110: {  	v17 =	vmul.f32 v17, v18  }
0x111: {  	v16 =	vmul.f32 v16, v19;
	_ =	sdelay $0x1  }
0x112: {  	v16 =	vadd.f32 v17, v16;
	_ =	sdelay $0x1  }
0x113: {  	[tilespmem:s12+$0xFFFFFFD0] =	vst v16  }
0x114: {  	v16 =	vld [tilespmem:s16+$0xFFFFFFC0]  }
0x115: {  	v17 =	vld [tilespmem:s16+$0xFFFFFFB0]  }
0x116: {  	v18 =	vld [tilespmem:s1+$0xFFFFFFC0]  }
0x117: {  	v19 =	vld [tilespmem:s1+$0xFFFFFFB0];
	_ =	sdelay $0x3  }
0x118: {  	v16 =	vmul.f32 v16, v18  }
0x119: {  	v17 =	vmul.f32 v17, v19;
	_ =	sdelay $0x1  }
0x11a: {  	v16 =	vadd.f32 v16, v17;
	_ =	sdelay $0x1  }
.Ltmp1:
0x11b: {  	[tilespmem:s12+$0xFFFFFFE0] =	vst v16;
	(pc) =	sbr.rel @p0 .LBB2_4-.Ltmp1, $4  }
0x11c: {  	v16 =	vld [tilespmem:s1+$0xFFFFFFE0]  }
0x11d: {  	v17 =	vld [tilespmem:s16+$0xFFFFFFD0]  }
0x11e: {  	v18 =	vld [tilespmem:s1+$0xFFFFFFD0]  }
0x11f: {  	s16 =	sadd.s32 $0x100, s16;
	v19 =	vld [tilespmem:s0+$0xFFFFFFE0]  }
0x120: {  	_ =	sdelay $0x3  }
0x121: {  	v17 =	vmul.f32 v17, v18;
	v16 =	vmul.f32 v19, v16;
	_ =	sdelay $0x1  }
0x122: {  	v16 =	vadd.f32 v16, v17;
	_ =	sdelay $0x1  }
0x123: {  	[tilespmem:s13+$0xFFFFFFF0] =	vst v16  }
0x124: {  	v16 =	vld [tilespmem:s14+$0xFFFFFFF0]  }
0x125: {  	v17 =	vld [tilespmem:s0+$0x0]  }
0x126: {  	v18 =	vld [tilespmem:s14+$0x0]  }
0x127: {  	v19 =	vld [tilespmem:s0+$0xFFFFFFF0];
	_ =	sdelay $0x4  }
0x128: {  	v17 =	vmul.f32 v17, v18;
	v16 =	vmul.f32 v19, v16;
	_ =	sdelay $0x1  }
0x129: {  	v16 =	vadd.f32 v17, v16;
	_ =	sdelay $0x1  }
0x12a: {  	[tilespmem:s13+$0x0] =	vst v16  }
0x12b: {  	_ =	swait.ge [sflag:s25], $0x1000  }
0x12c: {  	[sflag:s25] =	ssyncset.done $0x0  }
0x12d: {  	[sflag:s25] =	ssyncadd.s32 $0xFFFFF000  }
0x12e: {  	_ =	swait.ge [sflag:s26], $0x1000  }
0x12f: {  	[sflag:s26] =	ssyncset.done $0x0  }
0x130: {  	s1 =	simm.s32 $0x24F0;
	[sflag:s26] =	ssyncadd.s32 $0xFFFFF000  }
0x131: {  	s0 =	simm.s32 $0x64F0;
	v16 =	vld [tilespmem:s1+$0xFFFFFF10]  }
0x132: {  	v17 =	vld [tilespmem:s0+$0xFFFFFF20]  }
0x133: {  	v18 =	vld [tilespmem:s0+$0xFFFFFF10]  }
0x134: {  	v19 =	vld [tilespmem:s1+$0xFFFFFF20];
	_ =	sdelay $0x4  }
0x135: {  	v16 =	vmul.f32 v18, v16;
	v17 =	vmul.f32 v17, v19;
	_ =	sdelay $0x1  }
0x136: {  	v16 =	vadd.f32 v17, v16  }
0x137: {  	s12 =	simm.s32 $0x9470  }
0x138: {  	[tilespmem:s12+$0xFFFFFF90] =	vst v16  }
0x139: {  	v16 =	vld [tilespmem:s0+$0xFFFFFF40]  }
0x13a: {  	v17 =	vld [tilespmem:s0+$0xFFFFFF30]  }
0x13b: {  	v18 =	vld [tilespmem:s1+$0xFFFFFF40]  }
0x13c: {  	v19 =	vld [tilespmem:s1+$0xFFFFFF30];
	_ =	sdelay $0x4  }
0x13d: {  	v16 =	vmul.f32 v16, v18;
	v17 =	vmul.f32 v17, v19;
	_ =	sdelay $0x1  }
0x13e: {  	v16 =	vadd.f32 v16, v17;
	_ =	sdelay $0x1  }
0x13f: {  	[tilespmem:s12+$0xFFFFFFA0] =	vst v16  }
0x140: {  	v16 =	vld [tilespmem:s0+$0xFFFFFF50]  }
0x141: {  	v17 =	vld [tilespmem:s1+$0xFFFFFF60]  }
0x142: {  	v18 =	vld [tilespmem:s1+$0xFFFFFF50]  }
0x143: {  	v19 =	vld [tilespmem:s0+$0xFFFFFF60];
	_ =	sdelay $0x4  }
0x144: {  	v16 =	vmul.f32 v16, v18;
	v17 =	vmul.f32 v19, v17;
	_ =	sdelay $0x1  }
0x145: {  	v16 =	vadd.f32 v17, v16;
	_ =	sdelay $0x1  }
0x146: {  	[tilespmem:s12+$0xFFFFFFB0] =	vst v16  }
0x147: {  	v16 =	vld [tilespmem:s0+$0xFFFFFF70]  }
0x148: {  	v17 =	vld [tilespmem:s1+$0xFFFFFF80]  }
0x149: {  	v18 =	vld [tilespmem:s1+$0xFFFFFF70]  }
0x14a: {  	v19 =	vld [tilespmem:s0+$0xFFFFFF80];
	_ =	sdelay $0x4  }
0x14b: {  	v16 =	vmul.f32 v16, v18;
	v17 =	vmul.f32 v19, v17;
	_ =	sdelay $0x1  }
0x14c: {  	v16 =	vadd.f32 v17, v16;
	_ =	sdelay $0x1  }
0x14d: {  	[tilespmem:s12+$0xFFFFFFC0] =	vst v16  }
0x14e: {  	v16 =	vld [tilespmem:s0+$0xFFFFFF90]  }
0x14f: {  	v17 =	vld [tilespmem:s0+$0xFFFFFFA0]  }
0x150: {  	v18 =	vld [tilespmem:s1+$0xFFFFFFA0]  }
0x151: {  	v19 =	vld [tilespmem:s1+$0xFFFFFF90];
	_ =	sdelay $0x4  }
0x152: {  	v17 =	vmul.f32 v17, v18;
	v16 =	vmul.f32 v16, v19;
	_ =	sdelay $0x1  }
0x153: {  	v16 =	vadd.f32 v17, v16;
	_ =	sdelay $0x1  }
0x154: {  	[tilespmem:s12+$0xFFFFFFD0] =	vst v16  }
0x155: {  	v16 =	vld [tilespmem:s0+$0xFFFFFFC0]  }
0x156: {  	v17 =	vld [tilespmem:s0+$0xFFFFFFB0]  }
0x157: {  	v18 =	vld [tilespmem:s1+$0xFFFFFFC0]  }
0x158: {  	v19 =	vld [tilespmem:s1+$0xFFFFFFB0];
	_ =	sdelay $0x4  }
0x159: {  	v16 =	vmul.f32 v16, v18;
	v17 =	vmul.f32 v17, v19;
	_ =	sdelay $0x1  }
0x15a: {  	v16 =	vadd.f32 v16, v17;
	_ =	sdelay $0x1  }
0x15b: {  	[tilespmem:s12+$0xFFFFFFE0] =	vst v16  }
0x15c: {  	v16 =	vld [tilespmem:s1+$0xFFFFFFE0]  }
0x15d: {  	v17 =	vld [tilespmem:s0+$0xFFFFFFD0]  }
0x15e: {  	s15 =	simm.s32 $0x100;
	v18 =	vld [tilespmem:s1+$0xFFFFFFD0]  }
0x15f: {  	s16 =	simm.s32 $0x65F0;
	s14 =	simm.s32 $0x24F0;
	s13 =	simm.s32 $0x9470;
	v19 =	vld [tilespmem:s0+$0xFFFFFFE0]  }
.LBB2_6:
0x160: {  	s15 =	sadd.s32 $0x8, s15;
	s12 =	sadd.s32 $0x80, s12;
	s1 =	sadd.s32 $0x100, s1  }
0x161: {  	p0 =	slt.u32 s15, $0x178;
	_ =	sdelay $0x1  }
0x162: {  	v17 =	vmul.f32 v17, v18  }
0x163: {  	v16 =	vmul.f32 v19, v16;
	_ =	sdelay $0x1  }
0x164: {  	v16 =	vadd.f32 v16, v17;
	_ =	sdelay $0x1  }
0x165: {  	[tilespmem:s13+$0xFFFFFFF0] =	vst v16  }
0x166: {  	v16 =	vld [tilespmem:s14+$0xFFFFFFF0]  }
0x167: {  	v17 =	vld [tilespmem:s0+$0x0]  }
0x168: {  	v18 =	vld [tilespmem:s14+$0x0];
	s14 =	smov.u32 s1  }
0x169: {  	v19 =	vld [tilespmem:s0+$0xFFFFFFF0];
	s0 =	smov.u32 s16;
	_ =	sdelay $0x3  }
0x16a: {  	v17 =	vmul.f32 v17, v18  }
0x16b: {  	v16 =	vmul.f32 v19, v16;
	_ =	sdelay $0x1  }
0x16c: {  	v16 =	vadd.f32 v17, v16;
	_ =	sdelay $0x1  }
0x16d: {  	[tilespmem:s13+$0x0] =	vst v16;
	s13 =	smov.u32 s12  }
0x16e: {  	v16 =	vld [tilespmem:s1+$0xFFFFFF10]  }
0x16f: {  	v17 =	vld [tilespmem:s16+$0xFFFFFF20]  }
0x170: {  	v18 =	vld [tilespmem:s16+$0xFFFFFF10]  }
0x171: {  	v19 =	vld [tilespmem:s1+$0xFFFFFF20];
	_ =	sdelay $0x3  }
0x172: {  	v16 =	vmul.f32 v18, v16  }
0x173: {  	v17 =	vmul.f32 v17, v19;
	_ =	sdelay $0x1  }
0x174: {  	v16 =	vadd.f32 v17, v16;
	_ =	sdelay $0x1  }
0x175: {  	[tilespmem:s12+$0xFFFFFF90] =	vst v16  }
0x176: {  	v16 =	vld [tilespmem:s16+$0xFFFFFF40]  }
0x177: {  	v17 =	vld [tilespmem:s16+$0xFFFFFF30]  }
0x178: {  	v18 =	vld [tilespmem:s1+$0xFFFFFF40]  }
0x179: {  	v19 =	vld [tilespmem:s1+$0xFFFFFF30];
	_ =	sdelay $0x3  }
0x17a: {  	v16 =	vmul.f32 v16, v18  }
0x17b: {  	v17 =	vmul.f32 v17, v19;
	_ =	sdelay $0x1  }
0x17c: {  	v16 =	vadd.f32 v16, v17;
	_ =	sdelay $0x1  }
0x17d: {  	[tilespmem:s12+$0xFFFFFFA0] =	vst v16  }
0x17e: {  	v16 =	vld [tilespmem:s16+$0xFFFFFF50]  }
0x17f: {  	v17 =	vld [tilespmem:s1+$0xFFFFFF60]  }
0x180: {  	v18 =	vld [tilespmem:s1+$0xFFFFFF50]  }
0x181: {  	v19 =	vld [tilespmem:s16+$0xFFFFFF60];
	_ =	sdelay $0x3  }
0x182: {  	v16 =	vmul.f32 v16, v18  }
0x183: {  	v17 =	vmul.f32 v19, v17;
	_ =	sdelay $0x1  }
0x184: {  	v16 =	vadd.f32 v17, v16;
	_ =	sdelay $0x1  }
0x185: {  	[tilespmem:s12+$0xFFFFFFB0] =	vst v16  }
0x186: {  	v16 =	vld [tilespmem:s16+$0xFFFFFF70]  }
0x187: {  	v17 =	vld [tilespmem:s1+$0xFFFFFF80]  }
0x188: {  	v18 =	vld [tilespmem:s1+$0xFFFFFF70]  }
0x189: {  	v19 =	vld [tilespmem:s16+$0xFFFFFF80];
	_ =	sdelay $0x3  }
0x18a: {  	v16 =	vmul.f32 v16, v18  }
0x18b: {  	v17 =	vmul.f32 v19, v17;
	_ =	sdelay $0x1  }
0x18c: {  	v16 =	vadd.f32 v17, v16;
	_ =	sdelay $0x1  }
0x18d: {  	[tilespmem:s12+$0xFFFFFFC0] =	vst v16  }
0x18e: {  	v16 =	vld [tilespmem:s16+$0xFFFFFF90]  }
0x18f: {  	v17 =	vld [tilespmem:s16+$0xFFFFFFA0]  }
0x190: {  	v18 =	vld [tilespmem:s1+$0xFFFFFFA0]  }
0x191: {  	v19 =	vld [tilespmem:s1+$0xFFFFFF90];
	_ =	sdelay $0x3  }
0x192: {  	v17 =	vmul.f32 v17, v18  }
0x193: {  	v16 =	vmul.f32 v16, v19;
	_ =	sdelay $0x1  }
0x194: {  	v16 =	vadd.f32 v17, v16;
	_ =	sdelay $0x1  }
0x195: {  	[tilespmem:s12+$0xFFFFFFD0] =	vst v16  }
0x196: {  	v16 =	vld [tilespmem:s16+$0xFFFFFFC0]  }
0x197: {  	v17 =	vld [tilespmem:s16+$0xFFFFFFB0]  }
0x198: {  	v18 =	vld [tilespmem:s1+$0xFFFFFFC0]  }
0x199: {  	v19 =	vld [tilespmem:s1+$0xFFFFFFB0];
	_ =	sdelay $0x3  }
0x19a: {  	v16 =	vmul.f32 v16, v18  }
0x19b: {  	v17 =	vmul.f32 v17, v19;
	_ =	sdelay $0x1  }
0x19c: {  	v16 =	vadd.f32 v16, v17;
	_ =	sdelay $0x1  }
.Ltmp2:
0x19d: {  	[tilespmem:s12+$0xFFFFFFE0] =	vst v16;
	(pc) =	sbr.rel @p0 .LBB2_6-.Ltmp2, $4  }
0x19e: {  	v16 =	vld [tilespmem:s1+$0xFFFFFFE0]  }
0x19f: {  	v17 =	vld [tilespmem:s16+$0xFFFFFFD0]  }
0x1a0: {  	v18 =	vld [tilespmem:s1+$0xFFFFFFD0]  }
0x1a1: {  	s16 =	sadd.s32 $0x100, s16;
	v19 =	vld [tilespmem:s0+$0xFFFFFFE0]  }
0x1a2: {  	_ =	sdelay $0x3  }
0x1a3: {  	v17 =	vmul.f32 v17, v18;
	v16 =	vmul.f32 v19, v16;
	_ =	sdelay $0x1  }
0x1a4: {  	v16 =	vadd.f32 v16, v17;
	_ =	sdelay $0x1  }
0x1a5: {  	[tilespmem:s13+$0xFFFFFFF0] =	vst v16  }
0x1a6: {  	v16 =	vld [tilespmem:s14+$0xFFFFFFF0]  }
0x1a7: {  	v17 =	vld [tilespmem:s0+$0x0]  }
0x1a8: {  	v18 =	vld [tilespmem:s14+$0x0]  }
0x1a9: {  	v19 =	vld [tilespmem:s0+$0xFFFFFFF0];
	_ =	sdelay $0x4  }
0x1aa: {  	v17 =	vmul.f32 v17, v18;
	v16 =	vmul.f32 v19, v16;
	_ =	sdelay $0x1  }
0x1ab: {  	v16 =	vadd.f32 v17, v16;
	_ =	sdelay $0x1  }
0x1ac: {  	[tilespmem:s13+$0x0] =	vst v16  }
0x1ad: {  	_ =	swait.ge [sflag:s25], $0x1000  }
0x1ae: {  	[sflag:s25] =	ssyncset.done $0x0  }
0x1af: {  	[sflag:s25] =	ssyncadd.s32 $0xFFFFF000  }
0x1b0: {  	_ =	swait.ge [sflag:s26], $0x1000  }
0x1b1: {  	[sflag:s26] =	ssyncset.done $0x0  }
0x1b2: {  	s1 =	simm.s32 $0x34F0;
	[sflag:s26] =	ssyncadd.s32 $0xFFFFF000  }
0x1b3: {  	s0 =	simm.s32 $0x74F0;
	v16 =	vld [tilespmem:s1+$0xFFFFFF10]  }
0x1b4: {  	v17 =	vld [tilespmem:s0+$0xFFFFFF20]  }
0x1b5: {  	v18 =	vld [tilespmem:s0+$0xFFFFFF10]  }
0x1b6: {  	v19 =	vld [tilespmem:s1+$0xFFFFFF20];
	_ =	sdelay $0x4  }
0x1b7: {  	v16 =	vmul.f32 v18, v16;
	v17 =	vmul.f32 v17, v19;
	_ =	sdelay $0x1  }
0x1b8: {  	v16 =	vadd.f32 v17, v16  }
0x1b9: {  	s12 =	simm.s32 $0x9C70  }
0x1ba: {  	[tilespmem:s12+$0xFFFFFF90] =	vst v16  }
0x1bb: {  	v16 =	vld [tilespmem:s0+$0xFFFFFF40]  }
0x1bc: {  	v17 =	vld [tilespmem:s0+$0xFFFFFF30]  }
0x1bd: {  	v18 =	vld [tilespmem:s1+$0xFFFFFF40]  }
0x1be: {  	v19 =	vld [tilespmem:s1+$0xFFFFFF30];
	_ =	sdelay $0x4  }
0x1bf: {  	v16 =	vmul.f32 v16, v18;
	v17 =	vmul.f32 v17, v19;
	_ =	sdelay $0x1  }
0x1c0: {  	v16 =	vadd.f32 v16, v17;
	_ =	sdelay $0x1  }
0x1c1: {  	[tilespmem:s12+$0xFFFFFFA0] =	vst v16  }
0x1c2: {  	v16 =	vld [tilespmem:s0+$0xFFFFFF50]  }
0x1c3: {  	v17 =	vld [tilespmem:s1+$0xFFFFFF60]  }
0x1c4: {  	v18 =	vld [tilespmem:s1+$0xFFFFFF50]  }
0x1c5: {  	v19 =	vld [tilespmem:s0+$0xFFFFFF60];
	_ =	sdelay $0x4  }
0x1c6: {  	v16 =	vmul.f32 v16, v18;
	v17 =	vmul.f32 v19, v17;
	_ =	sdelay $0x1  }
0x1c7: {  	v16 =	vadd.f32 v17, v16;
	_ =	sdelay $0x1  }
0x1c8: {  	[tilespmem:s12+$0xFFFFFFB0] =	vst v16  }
0x1c9: {  	v16 =	vld [tilespmem:s0+$0xFFFFFF70]  }
0x1ca: {  	v17 =	vld [tilespmem:s1+$0xFFFFFF80]  }
0x1cb: {  	v18 =	vld [tilespmem:s1+$0xFFFFFF70]  }
0x1cc: {  	v19 =	vld [tilespmem:s0+$0xFFFFFF80];
	_ =	sdelay $0x4  }
0x1cd: {  	v16 =	vmul.f32 v16, v18;
	v17 =	vmul.f32 v19, v17;
	_ =	sdelay $0x1  }
0x1ce: {  	v16 =	vadd.f32 v17, v16;
	_ =	sdelay $0x1  }
0x1cf: {  	[tilespmem:s12+$0xFFFFFFC0] =	vst v16  }
0x1d0: {  	v16 =	vld [tilespmem:s0+$0xFFFFFF90]  }
0x1d1: {  	v17 =	vld [tilespmem:s0+$0xFFFFFFA0]  }
0x1d2: {  	v18 =	vld [tilespmem:s1+$0xFFFFFFA0]  }
0x1d3: {  	v19 =	vld [tilespmem:s1+$0xFFFFFF90];
	_ =	sdelay $0x4  }
0x1d4: {  	v17 =	vmul.f32 v17, v18;
	v16 =	vmul.f32 v16, v19;
	_ =	sdelay $0x1  }
0x1d5: {  	v16 =	vadd.f32 v17, v16;
	_ =	sdelay $0x1  }
0x1d6: {  	[tilespmem:s12+$0xFFFFFFD0] =	vst v16  }
0x1d7: {  	v16 =	vld [tilespmem:s0+$0xFFFFFFC0]  }
0x1d8: {  	v17 =	vld [tilespmem:s0+$0xFFFFFFB0]  }
0x1d9: {  	v18 =	vld [tilespmem:s1+$0xFFFFFFC0]  }
0x1da: {  	v19 =	vld [tilespmem:s1+$0xFFFFFFB0];
	_ =	sdelay $0x4  }
0x1db: {  	v16 =	vmul.f32 v16, v18;
	v17 =	vmul.f32 v17, v19;
	_ =	sdelay $0x1  }
0x1dc: {  	v16 =	vadd.f32 v16, v17;
	_ =	sdelay $0x1  }
0x1dd: {  	[tilespmem:s12+$0xFFFFFFE0] =	vst v16  }
0x1de: {  	v16 =	vld [tilespmem:s1+$0xFFFFFFE0]  }
0x1df: {  	v17 =	vld [tilespmem:s0+$0xFFFFFFD0]  }
0x1e0: {  	s15 =	simm.s32 $0x180;
	s16 =	simm.s32 $0x75F0;
	v18 =	vld [tilespmem:s1+$0xFFFFFFD0]  }
0x1e1: {  	s31 =	simm.s32 $0xA410;
	s14 =	simm.s32 $0x34F0;
	s13 =	simm.s32 $0x9C70;
	v19 =	vld [tilespmem:s0+$0xFFFFFFE0]  }
.LBB2_8:
0x1e2: {  	s15 =	sadd.s32 $0x8, s15;
	s12 =	sadd.s32 $0x80, s12;
	s1 =	sadd.s32 $0x100, s1  }
0x1e3: {  	p0 =	slt.u32 s15, $0x1F8;
	_ =	sdelay $0x1  }
0x1e4: {  	v17 =	vmul.f32 v17, v18  }
0x1e5: {  	v16 =	vmul.f32 v19, v16;
	_ =	sdelay $0x1  }
0x1e6: {  	v16 =	vadd.f32 v16, v17;
	_ =	sdelay $0x1  }
0x1e7: {  	[tilespmem:s13+$0xFFFFFFF0] =	vst v16  }
0x1e8: {  	v16 =	vld [tilespmem:s14+$0xFFFFFFF0]  }
0x1e9: {  	v17 =	vld [tilespmem:s0+$0x0]  }
0x1ea: {  	v18 =	vld [tilespmem:s14+$0x0];
	s14 =	smov.u32 s1  }
0x1eb: {  	v19 =	vld [tilespmem:s0+$0xFFFFFFF0];
	s0 =	smov.u32 s16;
	_ =	sdelay $0x3  }
0x1ec: {  	v17 =	vmul.f32 v17, v18  }
0x1ed: {  	v16 =	vmul.f32 v19, v16;
	_ =	sdelay $0x1  }
0x1ee: {  	v16 =	vadd.f32 v17, v16;
	_ =	sdelay $0x1  }
0x1ef: {  	[tilespmem:s13+$0x0] =	vst v16;
	s13 =	smov.u32 s12  }
0x1f0: {  	v16 =	vld [tilespmem:s1+$0xFFFFFF10]  }
0x1f1: {  	v17 =	vld [tilespmem:s16+$0xFFFFFF20]  }
0x1f2: {  	v18 =	vld [tilespmem:s16+$0xFFFFFF10]  }
0x1f3: {  	v19 =	vld [tilespmem:s1+$0xFFFFFF20];
	_ =	sdelay $0x3  }
0x1f4: {  	v16 =	vmul.f32 v18, v16  }
0x1f5: {  	v17 =	vmul.f32 v17, v19;
	_ =	sdelay $0x1  }
0x1f6: {  	v16 =	vadd.f32 v17, v16;
	_ =	sdelay $0x1  }
0x1f7: {  	[tilespmem:s12+$0xFFFFFF90] =	vst v16  }
0x1f8: {  	v16 =	vld [tilespmem:s16+$0xFFFFFF40]  }
0x1f9: {  	v17 =	vld [tilespmem:s16+$0xFFFFFF30]  }
0x1fa: {  	v18 =	vld [tilespmem:s1+$0xFFFFFF40]  }
0x1fb: {  	v19 =	vld [tilespmem:s1+$0xFFFFFF30];
	_ =	sdelay $0x3  }
0x1fc: {  	v16 =	vmul.f32 v16, v18  }
0x1fd: {  	v17 =	vmul.f32 v17, v19;
	_ =	sdelay $0x1  }
0x1fe: {  	v16 =	vadd.f32 v16, v17;
	_ =	sdelay $0x1  }
0x1ff: {  	[tilespmem:s12+$0xFFFFFFA0] =	vst v16  }
0x200: {  	v16 =	vld [tilespmem:s16+$0xFFFFFF50]  }
0x201: {  	v17 =	vld [tilespmem:s1+$0xFFFFFF60]  }
0x202: {  	v18 =	vld [tilespmem:s1+$0xFFFFFF50]  }
0x203: {  	v19 =	vld [tilespmem:s16+$0xFFFFFF60];
	_ =	sdelay $0x3  }
0x204: {  	v16 =	vmul.f32 v16, v18  }
0x205: {  	v17 =	vmul.f32 v19, v17;
	_ =	sdelay $0x1  }
0x206: {  	v16 =	vadd.f32 v17, v16;
	_ =	sdelay $0x1  }
0x207: {  	[tilespmem:s12+$0xFFFFFFB0] =	vst v16  }
0x208: {  	v16 =	vld [tilespmem:s16+$0xFFFFFF70]  }
0x209: {  	v17 =	vld [tilespmem:s1+$0xFFFFFF80]  }
0x20a: {  	v18 =	vld [tilespmem:s1+$0xFFFFFF70]  }
0x20b: {  	v19 =	vld [tilespmem:s16+$0xFFFFFF80];
	_ =	sdelay $0x3  }
0x20c: {  	v16 =	vmul.f32 v16, v18  }
0x20d: {  	v17 =	vmul.f32 v19, v17;
	_ =	sdelay $0x1  }
0x20e: {  	v16 =	vadd.f32 v17, v16;
	_ =	sdelay $0x1  }
0x20f: {  	[tilespmem:s12+$0xFFFFFFC0] =	vst v16  }
0x210: {  	v16 =	vld [tilespmem:s16+$0xFFFFFF90]  }
0x211: {  	v17 =	vld [tilespmem:s16+$0xFFFFFFA0]  }
0x212: {  	v18 =	vld [tilespmem:s1+$0xFFFFFFA0]  }
0x213: {  	v19 =	vld [tilespmem:s1+$0xFFFFFF90];
	_ =	sdelay $0x3  }
0x214: {  	v17 =	vmul.f32 v17, v18  }
0x215: {  	v16 =	vmul.f32 v16, v19;
	_ =	sdelay $0x1  }
0x216: {  	v16 =	vadd.f32 v17, v16;
	_ =	sdelay $0x1  }
0x217: {  	[tilespmem:s12+$0xFFFFFFD0] =	vst v16  }
0x218: {  	v16 =	vld [tilespmem:s16+$0xFFFFFFC0]  }
0x219: {  	v17 =	vld [tilespmem:s16+$0xFFFFFFB0]  }
0x21a: {  	v18 =	vld [tilespmem:s1+$0xFFFFFFC0]  }
0x21b: {  	v19 =	vld [tilespmem:s1+$0xFFFFFFB0];
	_ =	sdelay $0x3  }
0x21c: {  	v16 =	vmul.f32 v16, v18  }
0x21d: {  	v17 =	vmul.f32 v17, v19;
	_ =	sdelay $0x1  }
0x21e: {  	v16 =	vadd.f32 v16, v17;
	_ =	sdelay $0x1  }
.Ltmp3:
0x21f: {  	[tilespmem:s12+$0xFFFFFFE0] =	vst v16;
	(pc) =	sbr.rel @p0 .LBB2_8-.Ltmp3, $4  }
0x220: {  	v16 =	vld [tilespmem:s1+$0xFFFFFFE0]  }
0x221: {  	v17 =	vld [tilespmem:s16+$0xFFFFFFD0]  }
0x222: {  	v18 =	vld [tilespmem:s1+$0xFFFFFFD0]  }
0x223: {  	s16 =	sadd.s32 $0x100, s16;
	v19 =	vld [tilespmem:s0+$0xFFFFFFE0]  }
0x224: {  	_ =	sdelay $0x3  }
0x225: {  	v17 =	vmul.f32 v17, v18;
	v16 =	vmul.f32 v19, v16;
	_ =	sdelay $0x1  }
0x226: {  	v16 =	vadd.f32 v16, v17;
	_ =	sdelay $0x1  }
0x227: {  	[tilespmem:s13+$0xFFFFFFF0] =	vst v16  }
0x228: {  	v16 =	vld [tilespmem:s14+$0xFFFFFFF0]  }
0x229: {  	v17 =	vld [tilespmem:s0+$0x0]  }
0x22a: {  	v18 =	vld [tilespmem:s14+$0x0]  }
0x22b: {  	v19 =	vld [tilespmem:s0+$0xFFFFFFF0];
	_ =	sdelay $0x3  }
0x22c: {  	s16 =	simm.s32 $0x0  }
0x22d: {  	v17 =	vmul.f32 v17, v18;
	v16 =	vmul.f32 v19, v16;
	v18 =	vor.u32 s16, v0  }
0x22e: {  	v19 =	vor.u32 s16, v1  }
0x22f: {  	v16 =	vadd.f32 v17, v16  }
0x230: {  	v17 =	vor.u32 s16, v2  }
0x231: {  	[tilespmem:s13+$0x0] =	vst v16  }
0x232: {  	v16 =	vld.idx.msk [tilespmem:v18+s28+$0x0], $0xffff;
	v18 =	vor.u32 s16, v3  }
0x233: {  	v19 =	vld.idx.msk [tilespmem:v19+s28+$0x0], $0xffff  }
0x234: {  	v20 =	vor.u32 s16, v4  }
0x235: {  	v17 =	vld.idx.msk [tilespmem:v17+s28+$0x0], $0xffff  }
0x236: {  	v21 =	vor.u32 s16, v5  }
0x237: {  	v18 =	vld.idx.msk [tilespmem:v18+s28+$0x0], $0xffff  }
0x238: {  	v22 =	vor.u32 s16, v6;
	v16 =	vadd.f32 v19, v16  }
0x239: {  	v19 =	vld.idx.msk [tilespmem:v20+s28+$0x0], $0xffff  }
0x23a: {  	v43 =	vor.u32 s16, v7;
	v16 =	vadd.f32 v17, v16  }
0x23b: {  	v17 =	vld.idx.msk [tilespmem:v21+s28+$0x0], $0xffff  }
0x23c: {  	v44 =	vor.u32 s16, v8;
	v16 =	vadd.f32 v18, v16  }
0x23d: {  	v18 =	vld.idx.msk [tilespmem:v22+s28+$0x0], $0xffff  }
0x23e: {  	v45 =	vor.u32 s16, v9;
	v16 =	vadd.f32 v19, v16  }
0x23f: {  	v19 =	vld.idx.msk [tilespmem:v43+s28+$0x0], $0xffff  }
0x240: {  	v46 =	vor.u32 s16, v10;
	v16 =	vadd.f32 v17, v16  }
0x241: {  	v17 =	vld.idx.msk [tilespmem:v44+s28+$0x0], $0xffff  }
0x242: {  	v47 =	vor.u32 s16, v11;
	v16 =	vadd.f32 v18, v16  }
0x243: {  	v18 =	vld.idx.msk [tilespmem:v45+s28+$0x0], $0xffff  }
0x244: {  	v48 =	vor.u32 s16, v12;
	v16 =	vadd.f32 v19, v16  }
0x245: {  	v19 =	vld.idx.msk [tilespmem:v46+s28+$0x0], $0xffff  }
0x246: {  	v49 =	vor.u32 s16, v13;
	v16 =	vadd.f32 v17, v16  }
0x247: {  	v17 =	vld.idx.msk [tilespmem:v47+s28+$0x0], $0xffff  }
0x248: {  	v50 =	vor.u32 s16, v14;
	v16 =	vadd.f32 v18, v16  }
0x249: {  	v18 =	vld.idx.msk [tilespmem:v48+s28+$0x0], $0xffff  }
0x24a: {  	v51 =	vor.u32 s16, v15;
	v16 =	vadd.f32 v19, v16  }
0x24b: {  	v19 =	vld.idx.msk [tilespmem:v49+s28+$0x0], $0xffff  }
0x24c: {  	v16 =	vadd.f32 v17, v16  }
0x24d: {  	v17 =	vld.idx.msk [tilespmem:v50+s28+$0x0], $0xffff  }
0x24e: {  	v16 =	vadd.f32 v18, v16  }
0x24f: {  	v18 =	vld.idx.msk [tilespmem:v51+s28+$0x0], $0xffff  }
0x250: {  	v16 =	vadd.f32 v19, v16;
	_ =	sdelay $0x1  }
0x251: {  	v16 =	vadd.f32 v17, v16;
	_ =	sdelay $0x1  }
0x252: {  	v16 =	vadd.f32 v18, v16;
	_ =	sdelay $0x1  }
0x253: {  	v16 =	vmax.f32 v16, $-1.000000000e+01  }
0x254: {  	v16 =	vmin.f32 v16, $1.000000000e+01  }
0x255: {  	v16 =	vsub.f32 $0.0e+00, v16;
	_ =	sdelay $0x1  }
0x256: {  	v16 =	vmul.f32 $1.442695020e+00, v16;
	_ =	sdelay $0x1  }
0x257: {  	(erf) = vpow2.f32 v16;
	_ =	sdelay $0x8  }
0x258: {  	v16 =	vpop (erf)  }
0x259: {  	v16 =	vadd.f32 $1.000000000e+00, v16;
	_ =	sdelay $0x1  }
0x25a: {  	(erf) = vrcp.f32 v16;
	_ =	sdelay $0x5  }
0x25b: {  	v16 =	vor.u32 s17, v0  }
0x25c: {  	v17 =	vor.u32 s17, v1;
	_ =	sdelay $0x1  }
0x25d: {  	v18 =	vor.u32 s17, v2;
	v19 =	vpop (erf)  }
0x25e: {  	[tilespmem:s31+$0xFFFFFFF0] =	vst v19  }
0x25f: {  	v19 =	vor.u32 s17, v3;
	v16 =	vld.idx.msk [tilespmem:v16+s28+$0x0], $0xffff  }
0x260: {  	v17 =	vld.idx.msk [tilespmem:v17+s28+$0x0], $0xffff  }
0x261: {  	v52 =	vor.u32 s17, v4  }
0x262: {  	v18 =	vld.idx.msk [tilespmem:v18+s28+$0x0], $0xffff  }
0x263: {  	v53 =	vor.u32 s17, v5  }
0x264: {  	v19 =	vld.idx.msk [tilespmem:v19+s28+$0x0], $0xffff  }
0x265: {  	v54 =	vor.u32 s17, v6;
	v16 =	vadd.f32 v17, v16  }
0x266: {  	v17 =	vld.idx.msk [tilespmem:v52+s28+$0x0], $0xffff  }
0x267: {  	v55 =	vor.u32 s17, v7;
	v16 =	vadd.f32 v18, v16  }
0x268: {  	v18 =	vld.idx.msk [tilespmem:v53+s28+$0x0], $0xffff  }
0x269: {  	v56 =	vor.u32 s17, v8;
	v16 =	vadd.f32 v19, v16  }
0x26a: {  	v19 =	vld.idx.msk [tilespmem:v54+s28+$0x0], $0xffff  }
0x26b: {  	v57 =	vor.u32 s17, v9;
	v16 =	vadd.f32 v17, v16  }
0x26c: {  	v17 =	vld.idx.msk [tilespmem:v55+s28+$0x0], $0xffff  }
0x26d: {  	v58 =	vor.u32 s17, v10;
	v16 =	vadd.f32 v18, v16  }
0x26e: {  	v18 =	vld.idx.msk [tilespmem:v56+s28+$0x0], $0xffff  }
0x26f: {  	v59 =	vor.u32 s17, v11;
	v16 =	vadd.f32 v19, v16  }
0x270: {  	v19 =	vld.idx.msk [tilespmem:v57+s28+$0x0], $0xffff  }
0x271: {  	v60 =	vor.u32 s17, v12;
	v16 =	vadd.f32 v17, v16  }
0x272: {  	v17 =	vld.idx.msk [tilespmem:v58+s28+$0x0], $0xffff  }
0x273: {  	v61 =	vor.u32 s17, v13;
	v16 =	vadd.f32 v18, v16  }
0x274: {  	v18 =	vld.idx.msk [tilespmem:v59+s28+$0x0], $0xffff  }
0x275: {  	v62 =	vor.u32 s17, v14;
	v16 =	vadd.f32 v19, v16  }
0x276: {  	v19 =	vld.idx.msk [tilespmem:v60+s28+$0x0], $0xffff  }
0x277: {  	v63 =	vor.u32 s17, v15;
	v16 =	vadd.f32 v17, v16  }
0x278: {  	v17 =	vld.idx.msk [tilespmem:v61+s28+$0x0], $0xffff  }
0x279: {  	v16 =	vadd.f32 v18, v16  }
0x27a: {  	v18 =	vld.idx.msk [tilespmem:v62+s28+$0x0], $0xffff  }
0x27b: {  	v16 =	vadd.f32 v19, v16  }
0x27c: {  	v19 =	vld.idx.msk [tilespmem:v63+s28+$0x0], $0xffff  }
0x27d: {  	v16 =	vadd.f32 v17, v16;
	_ =	sdelay $0x1  }
0x27e: {  	v16 =	vadd.f32 v18, v16;
	_ =	sdelay $0x1  }
0x27f: {  	v16 =	vadd.f32 v19, v16;
	_ =	sdelay $0x1  }
0x280: {  	v16 =	vmax.f32 v16, $-1.000000000e+01  }
0x281: {  	v16 =	vmin.f32 v16, $1.000000000e+01  }
0x282: {  	v16 =	vsub.f32 $0.0e+00, v16;
	_ =	sdelay $0x1  }
0x283: {  	v16 =	vmul.f32 $1.442695020e+00, v16;
	_ =	sdelay $0x1  }
0x284: {  	(erf) = vpow2.f32 v16;
	_ =	sdelay $0x8  }
0x285: {  	v16 =	vpop (erf)  }
0x286: {  	v16 =	vadd.f32 $1.000000000e+00, v16;
	_ =	sdelay $0x1  }
0x287: {  	(erf) = vrcp.f32 v16;
	_ =	sdelay $0x3  }
0x288: {  	s13 =	simm.s32 $0x200  }
0x289: {  	s1 =	simm.s32 $0x2;
	s12 =	simm.s32 $0xA410;
	s0 =	simm.s32 $0x300;
	v17 =	vor.u32 s13, v0;
	v16 =	vor.u32 s13, v1  }
.LBB2_10:
0x28a: {  	_ = 	snop  }
0x28b: {  	s1 =	sadd.s32 $0x2, s1;
	s31 =	sadd.s32 $0x20, s31  }
0x28c: {  	p0 =	slt.u32 s1, $0x1E  }
0x28d: {  	v18 =	vor.u32 s13, v2;
	v19 =	vpop (erf)  }
0x28e: {  	[tilespmem:s12+$0x0] =	vst v19;
	s12 =	smov.u32 s31  }
0x28f: {  	v19 =	vor.u32 s13, v3;
	v17 =	vld.idx.msk [tilespmem:v17+s28+$0x0], $0xffff  }
0x290: {  	v16 =	vld.idx.msk [tilespmem:v16+s28+$0x0], $0xffff  }
0x291: {  	v20 =	vor.u32 s13, v4  }
0x292: {  	v18 =	vld.idx.msk [tilespmem:v18+s28+$0x0], $0xffff  }
0x293: {  	v21 =	vor.u32 s13, v5  }
0x294: {  	v19 =	vld.idx.msk [tilespmem:v19+s28+$0x0], $0xffff  }
0x295: {  	v22 =	vor.u32 s13, v6  }
0x296: {  	v16 =	vadd.f32 v16, v17;
	v17 =	vld.idx.msk [tilespmem:v20+s28+$0x0], $0xffff  }
0x297: {  	v20 =	vor.u32 s13, v7  }
0x298: {  	v16 =	vadd.f32 v18, v16;
	v18 =	vld.idx.msk [tilespmem:v21+s28+$0x0], $0xffff  }
0x299: {  	v21 =	vor.u32 s13, v8  }
0x29a: {  	v16 =	vadd.f32 v19, v16;
	v19 =	vld.idx.msk [tilespmem:v22+s28+$0x0], $0xffff  }
0x29b: {  	v22 =	vor.u32 s13, v9  }
0x29c: {  	v16 =	vadd.f32 v17, v16;
	v17 =	vld.idx.msk [tilespmem:v20+s28+$0x0], $0xffff  }
0x29d: {  	v20 =	vor.u32 s13, v10  }
0x29e: {  	v16 =	vadd.f32 v18, v16;
	v18 =	vld.idx.msk [tilespmem:v21+s28+$0x0], $0xffff  }
0x29f: {  	v21 =	vor.u32 s13, v11  }
0x2a0: {  	v16 =	vadd.f32 v19, v16;
	v19 =	vld.idx.msk [tilespmem:v22+s28+$0x0], $0xffff  }
0x2a1: {  	v22 =	vor.u32 s13, v12  }
0x2a2: {  	v16 =	vadd.f32 v17, v16;
	v17 =	vld.idx.msk [tilespmem:v20+s28+$0x0], $0xffff  }
0x2a3: {  	v20 =	vor.u32 s13, v13  }
0x2a4: {  	v16 =	vadd.f32 v18, v16;
	v18 =	vld.idx.msk [tilespmem:v21+s28+$0x0], $0xffff  }
0x2a5: {  	v21 =	vor.u32 s13, v14  }
0x2a6: {  	v16 =	vadd.f32 v19, v16;
	v19 =	vld.idx.msk [tilespmem:v22+s28+$0x0], $0xffff  }
0x2a7: {  	v22 =	vor.u32 s13, v15  }
0x2a8: {  	v16 =	vadd.f32 v17, v16;
	v17 =	vld.idx.msk [tilespmem:v20+s28+$0x0], $0xffff;
	_ =	sdelay $0x1  }
0x2a9: {  	v16 =	vadd.f32 v18, v16;
	v18 =	vld.idx.msk [tilespmem:v21+s28+$0x0], $0xffff;
	_ =	sdelay $0x1  }
0x2aa: {  	v16 =	vadd.f32 v19, v16;
	v19 =	vld.idx.msk [tilespmem:v22+s28+$0x0], $0xffff;
	_ =	sdelay $0x1  }
0x2ab: {  	v16 =	vadd.f32 v17, v16;
	_ =	sdelay $0x1  }
0x2ac: {  	v16 =	vadd.f32 v18, v16;
	_ =	sdelay $0x1  }
0x2ad: {  	v16 =	vadd.f32 v19, v16;
	_ =	sdelay $0x1  }
0x2ae: {  	v16 =	vmax.f32 v16, $-1.000000000e+01  }
0x2af: {  	v16 =	vmin.f32 v16, $1.000000000e+01  }
0x2b0: {  	v16 =	vsub.f32 $0.0e+00, v16;
	_ =	sdelay $0x1  }
0x2b1: {  	v16 =	vmul.f32 $1.442695020e+00, v16;
	_ =	sdelay $0x1  }
0x2b2: {  	(erf) = vpow2.f32 v16;
	_ =	sdelay $0x8  }
0x2b3: {  	v16 =	vpop (erf)  }
0x2b4: {  	v16 =	vadd.f32 $1.000000000e+00, v16;
	_ =	sdelay $0x1  }
0x2b5: {  	(erf) = vrcp.f32 v16;
	_ =	sdelay $0x5  }
0x2b6: {  	v16 =	vor.u32 s0, v0  }
0x2b7: {  	v17 =	vor.u32 s0, v1;
	_ =	sdelay $0x1  }
0x2b8: {  	v18 =	vor.u32 s0, v2;
	v19 =	vpop (erf)  }
0x2b9: {  	[tilespmem:s31+$0xFFFFFFF0] =	vst v19;
	v19 =	vor.u32 s0, v3  }
0x2ba: {  	v16 =	vld.idx.msk [tilespmem:v16+s28+$0x0], $0xffff  }
0x2bb: {  	v20 =	vor.u32 s0, v4;
	v17 =	vld.idx.msk [tilespmem:v17+s28+$0x0], $0xffff;
	_ =	sdelay $0x1  }
0x2bc: {  	v21 =	vor.u32 s0, v5;
	v18 =	vld.idx.msk [tilespmem:v18+s28+$0x0], $0xffff  }
0x2bd: {  	v19 =	vld.idx.msk [tilespmem:v19+s28+$0x0], $0xffff  }
0x2be: {  	v22 =	vor.u32 s0, v6  }
0x2bf: {  	v20 =	vld.idx.msk [tilespmem:v20+s28+$0x0], $0xffff  }
0x2c0: {  	v16 =	vadd.f32 v17, v16;
	v17 =	vor.u32 s0, v7  }
0x2c1: {  	v21 =	vld.idx.msk [tilespmem:v21+s28+$0x0], $0xffff  }
0x2c2: {  	v16 =	vadd.f32 v18, v16;
	v18 =	vor.u32 s0, v8  }
0x2c3: {  	v22 =	vld.idx.msk [tilespmem:v22+s28+$0x0], $0xffff  }
0x2c4: {  	v16 =	vadd.f32 v19, v16;
	v19 =	vor.u32 s0, v9  }
0x2c5: {  	v17 =	vld.idx.msk [tilespmem:v17+s28+$0x0], $0xffff  }
0x2c6: {  	v16 =	vadd.f32 v20, v16;
	v20 =	vor.u32 s0, v10  }
0x2c7: {  	v18 =	vld.idx.msk [tilespmem:v18+s28+$0x0], $0xffff  }
0x2c8: {  	v16 =	vadd.f32 v21, v16;
	v21 =	vor.u32 s0, v11  }
0x2c9: {  	v19 =	vld.idx.msk [tilespmem:v19+s28+$0x0], $0xffff  }
0x2ca: {  	v16 =	vadd.f32 v22, v16;
	v22 =	vor.u32 s0, v12  }
0x2cb: {  	v20 =	vld.idx.msk [tilespmem:v20+s28+$0x0], $0xffff  }
0x2cc: {  	v16 =	vadd.f32 v17, v16;
	v17 =	vor.u32 s0, v13  }
0x2cd: {  	v21 =	vld.idx.msk [tilespmem:v21+s28+$0x0], $0xffff  }
0x2ce: {  	v16 =	vadd.f32 v18, v16;
	v18 =	vor.u32 s0, v14  }
0x2cf: {  	v22 =	vld.idx.msk [tilespmem:v22+s28+$0x0], $0xffff  }
0x2d0: {  	v16 =	vadd.f32 v19, v16;
	v19 =	vor.u32 s0, v15  }
0x2d1: {  	v17 =	vld.idx.msk [tilespmem:v17+s28+$0x0], $0xffff  }
0x2d2: {  	v16 =	vadd.f32 v20, v16  }
0x2d3: {  	v18 =	vld.idx.msk [tilespmem:v18+s28+$0x0], $0xffff  }
0x2d4: {  	v16 =	vadd.f32 v21, v16  }
0x2d5: {  	v19 =	vld.idx.msk [tilespmem:v19+s28+$0x0], $0xffff  }
0x2d6: {  	v16 =	vadd.f32 v22, v16;
	_ =	sdelay $0x1  }
0x2d7: {  	v16 =	vadd.f32 v17, v16;
	_ =	sdelay $0x1  }
0x2d8: {  	v16 =	vadd.f32 v18, v16;
	_ =	sdelay $0x1  }
0x2d9: {  	v16 =	vadd.f32 v19, v16;
	_ =	sdelay $0x1  }
0x2da: {  	v16 =	vmax.f32 v16, $-1.000000000e+01  }
0x2db: {  	v16 =	vmin.f32 v16, $1.000000000e+01  }
0x2dc: {  	v16 =	vsub.f32 $0.0e+00, v16;
	_ =	sdelay $0x1  }
0x2dd: {  	v16 =	vmul.f32 $1.442695020e+00, v16;
	_ =	sdelay $0x1  }
0x2de: {  	(erf) = vpow2.f32 v16;
	_ =	sdelay $0x8  }
0x2df: {  	v16 =	vpop (erf)  }
0x2e0: {  	v16 =	vadd.f32 $1.000000000e+00, v16;
	_ =	sdelay $0x1  }
0x2e1: {  	(erf) = vrcp.f32 v16  }
.Ltmp4:
0x2e2: {  	(pc) =	sbr.rel @p0 .LBB2_10-.Ltmp4, $4  }
0x2e3: {  	_ = 	snop  }
0x2e4: {  	s0 =	sadd.s32 $0x200, s0  }
0x2e5: {  	s13 =	sadd.s32 $0xFFFFFF00, s0  }
0x2e6: {  	v17 =	vor.u32 s13, v0;
	v16 =	vor.u32 s13, v1  }
0x2e7: {  	_ =	sdelay $0x2  }
0x2e8: {  	v18 =	vor.u32 s13, v2;
	v19 =	vpop (erf)  }
0x2e9: {  	[tilespmem:s12+$0x0] =	vst v19  }
0x2ea: {  	v63 =	vor.u32 s13, v3;
	v17 =	vld.idx.msk [tilespmem:v17+s28+$0x0], $0xffff  }
0x2eb: {  	v16 =	vld.idx.msk [tilespmem:v16+s28+$0x0], $0xffff  }
0x2ec: {  	v20 =	vor.u32 s13, v4  }
0x2ed: {  	v18 =	vld.idx.msk [tilespmem:v18+s28+$0x0], $0xffff  }
0x2ee: {  	v21 =	vor.u32 s13, v5  }
0x2ef: {  	v19 =	vld.idx.msk [tilespmem:v63+s28+$0x0], $0xffff  }
0x2f0: {  	v22 =	vor.u32 s13, v6;
	v16 =	vadd.f32 v16, v17  }
0x2f1: {  	v17 =	vld.idx.msk [tilespmem:v20+s28+$0x0], $0xffff  }
0x2f2: {  	v24 =	vor.u32 s13, v7;
	v16 =	vadd.f32 v18, v16  }
0x2f3: {  	v25 =	vld.idx.msk [tilespmem:v21+s28+$0x0], $0xffff  }
0x2f4: {  	v26 =	vor.u32 s13, v8;
	v16 =	vadd.f32 v19, v16  }
0x2f5: {  	v27 =	vld.idx.msk [tilespmem:v22+s28+$0x0], $0xffff  }
0x2f6: {  	v28 =	vor.u32 s13, v9;
	v16 =	vadd.f32 v17, v16  }
0x2f7: {  	v17 =	vld.idx.msk [tilespmem:v24+s28+$0x0], $0xffff  }
0x2f8: {  	v29 =	vor.u32 s13, v10;
	v16 =	vadd.f32 v25, v16  }
0x2f9: {  	v30 =	vld.idx.msk [tilespmem:v26+s28+$0x0], $0xffff  }
0x2fa: {  	v31 =	vor.u32 s13, v11;
	v16 =	vadd.f32 v27, v16  }
0x2fb: {  	v32 =	vld.idx.msk [tilespmem:v28+s28+$0x0], $0xffff  }
0x2fc: {  	v33 =	vor.u32 s13, v12;
	v16 =	vadd.f32 v17, v16  }
0x2fd: {  	v17 =	vld.idx.msk [tilespmem:v29+s28+$0x0], $0xffff  }
0x2fe: {  	v34 =	vor.u32 s13, v13;
	v16 =	vadd.f32 v30, v16  }
0x2ff: {  	v35 =	vld.idx.msk [tilespmem:v31+s28+$0x0], $0xffff  }
0x300: {  	v36 =	vor.u32 s13, v14;
	v16 =	vadd.f32 v32, v16  }
0x301: {  	v37 =	vld.idx.msk [tilespmem:v33+s28+$0x0], $0xffff  }
0x302: {  	v38 =	vor.u32 s13, v15;
	v16 =	vadd.f32 v17, v16  }
0x303: {  	v17 =	vld.idx.msk [tilespmem:v34+s28+$0x0], $0xffff  }
0x304: {  	v16 =	vadd.f32 v35, v16  }
0x305: {  	v39 =	vld.idx.msk [tilespmem:v36+s28+$0x0], $0xffff  }
0x306: {  	v16 =	vadd.f32 v37, v16  }
0x307: {  	v40 =	vld.idx.msk [tilespmem:v38+s28+$0x0], $0xffff  }
0x308: {  	v16 =	vadd.f32 v17, v16;
	_ =	sdelay $0x1  }
0x309: {  	v16 =	vadd.f32 v39, v16;
	_ =	sdelay $0x1  }
0x30a: {  	v16 =	vadd.f32 v40, v16;
	_ =	sdelay $0x1  }
0x30b: {  	v16 =	vmax.f32 v16, $-1.000000000e+01  }
0x30c: {  	v16 =	vmin.f32 v16, $1.000000000e+01  }
0x30d: {  	v16 =	vsub.f32 $0.0e+00, v16;
	_ =	sdelay $0x1  }
0x30e: {  	v16 =	vmul.f32 $1.442695020e+00, v16;
	_ =	sdelay $0x1  }
0x30f: {  	(erf) = vpow2.f32 v16;
	_ =	sdelay $0x8  }
0x310: {  	v16 =	vpop (erf)  }
0x311: {  	v16 =	vadd.f32 $1.000000000e+00, v16;
	_ =	sdelay $0x1  }
0x312: {  	(erf) = vrcp.f32 v16;
	_ =	sdelay $0x5  }
0x313: {  	v16 =	vor.u32 s0, v0  }
0x314: {  	v17 =	vor.u32 s0, v1;
	_ =	sdelay $0x1  }
0x315: {  	s1 =	sadd.s32 $0x20, s31;
	v41 =	vor.u32 s0, v2;
	v42 =	vpop (erf)  }
0x316: {  	[tilespmem:s1+$0xFFFFFFF0] =	vst v42  }
0x317: {  	v43 =	vor.u32 s0, v3;
	v16 =	vld.idx.msk [tilespmem:v16+s28+$0x0], $0xffff  }
0x318: {  	v17 =	vld.idx.msk [tilespmem:v17+s28+$0x0], $0xffff  }
0x319: {  	v44 =	vor.u32 s0, v4  }
0x31a: {  	v18 =	vld.idx.msk [tilespmem:v41+s28+$0x0], $0xffff  }
0x31b: {  	v45 =	vor.u32 s0, v5  }
0x31c: {  	v19 =	vld.idx.msk [tilespmem:v43+s28+$0x0], $0xffff  }
0x31d: {  	v46 =	vor.u32 s0, v6;
	v16 =	vadd.f32 v17, v16  }
0x31e: {  	v17 =	vld.idx.msk [tilespmem:v44+s28+$0x0], $0xffff  }
0x31f: {  	v47 =	vor.u32 s0, v7;
	v16 =	vadd.f32 v18, v16  }
0x320: {  	v48 =	vld.idx.msk [tilespmem:v45+s28+$0x0], $0xffff  }
0x321: {  	v49 =	vor.u32 s0, v8;
	v16 =	vadd.f32 v19, v16  }
0x322: {  	v50 =	vld.idx.msk [tilespmem:v46+s28+$0x0], $0xffff  }
0x323: {  	v51 =	vor.u32 s0, v9;
	v16 =	vadd.f32 v17, v16  }
0x324: {  	v17 =	vld.idx.msk [tilespmem:v47+s28+$0x0], $0xffff  }
0x325: {  	v52 =	vor.u32 s0, v10;
	v16 =	vadd.f32 v48, v16  }
0x326: {  	v53 =	vld.idx.msk [tilespmem:v49+s28+$0x0], $0xffff  }
0x327: {  	v54 =	vor.u32 s0, v11;
	v16 =	vadd.f32 v50, v16  }
0x328: {  	v55 =	vld.idx.msk [tilespmem:v51+s28+$0x0], $0xffff  }
0x329: {  	v56 =	vor.u32 s0, v12;
	v16 =	vadd.f32 v17, v16  }
0x32a: {  	v17 =	vld.idx.msk [tilespmem:v52+s28+$0x0], $0xffff  }
0x32b: {  	v57 =	vor.u32 s0, v13;
	v16 =	vadd.f32 v53, v16  }
0x32c: {  	v58 =	vld.idx.msk [tilespmem:v54+s28+$0x0], $0xffff  }
0x32d: {  	v59 =	vor.u32 s0, v14;
	v16 =	vadd.f32 v55, v16  }
0x32e: {  	v60 =	vld.idx.msk [tilespmem:v56+s28+$0x0], $0xffff  }
0x32f: {  	v61 =	vor.u32 s0, v15;
	v16 =	vadd.f32 v17, v16  }
0x330: {  	v17 =	vld.idx.msk [tilespmem:v57+s28+$0x0], $0xffff  }
0x331: {  	v16 =	vadd.f32 v58, v16  }
0x332: {  	v62 =	vld.idx.msk [tilespmem:v59+s28+$0x0], $0xffff  }
0x333: {  	v16 =	vadd.f32 v60, v16  }
0x334: {  	v63 =	vld.idx.msk [tilespmem:v61+s28+$0x0], $0xffff  }
0x335: {  	v16 =	vadd.f32 v17, v16;
	_ =	sdelay $0x1  }
0x336: {  	v16 =	vadd.f32 v62, v16;
	_ =	sdelay $0x1  }
0x337: {  	v16 =	vadd.f32 v63, v16;
	_ =	sdelay $0x1  }
0x338: {  	v16 =	vmax.f32 v16, $-1.000000000e+01  }
0x339: {  	v16 =	vmin.f32 v16, $1.000000000e+01  }
0x33a: {  	v16 =	vsub.f32 $0.0e+00, v16;
	_ =	sdelay $0x1  }
0x33b: {  	v16 =	vmul.f32 $1.442695020e+00, v16;
	_ =	sdelay $0x1  }
0x33c: {  	(erf) = vpow2.f32 v16;
	_ =	sdelay $0x8  }
0x33d: {  	v16 =	vpop (erf)  }
0x33e: {  	v16 =	vadd.f32 $1.000000000e+00, v16;
	_ =	sdelay $0x1  }
0x33f: {  	(erf) = vrcp.f32 v16;
	_ =	sdelay $0x7  }
0x340: {  	s30 =	sadd.s32 $0x1, s30  }
0x341: {  	p0 =	sne.s32 s30, s8;
	v16 =	vpop (erf)  }
.Ltmp5:
0x342: {  	[tilespmem:s1+$0x0] =	vst v16;
	(pc) =	sbr.rel @p0 .LBB2_1-.Ltmp5, $4  }
0x343: {  	[hbm4b:s7+s2] =	stream.linear.scatter [tilespmem:s29], [sflag:$0x3], $0x200, $0x38;
	[tilespmem:$0xA600] =	vst v63  }
0x344: {  	_ =	swait.ge [sflag:s9], $0x200  }
0x345: {  	[sflag:s9] =	ssyncset.done $0x0  }
0x346: {  	[sflag:s9] =	ssyncadd.s32 $0xFFFFFE00  }
0x347: {  	_ =	sfence.sel $0x180000  }
0x348: {  	[bflag:$0x0] =	sbarrier.arrive $0xFFFF  }
0x349: {  	_ =	strace $0x90000047  }
0x34a: {  	s0 =	stileid.u32;
	[bflag:$0x2] =	sbarrier.arrive $0xFFFF  }
0x34b: {  	p0 =	sne.s32 s0, $0x0;
	s0 =	rddreg [dreg:$0x4]  }
0x34c: {  	s0 =	sadd.s32 @!p0 $0x100000, s0  }
0x34d: {  	[sflag:s0] =	ssyncadd.tile.s32 @!p0 $0x1;
	_ =	shalt  }
.Lfunc_end2:
_tile_overlayer_lowered:
.L_overlay_start_2:
0x34e: {  	(tag) =	ssettag $0x2  }
0x34f: {  	s0 =	rddreg [dreg:$0x0];
	s2 =	stileid.u32  }
0x350: {  	s1 =	rddreg [dreg:$0x1];
	p0 =	sne.s32 s2, $0x0  }
0x351: {  	s3 =	rddreg [dreg:$0x2];
	[bflag:$0x3] =	sbarrier.arrive $0xFFFF;
	s2 =	simm.s32 @!p0 $0x1C03  }
0x352: {  	[timem:s3], [sflag:s2] =	dma.local @!p0 [hbm:s0], s1  }
0x353: {  	s0 =	simm.s32 @!p0 $0x3  }
0x354: {  	_ =	swait.ge @!p0 [sflag:s0], s1  }
0x355: {  	s1 =	ssub.s32 @!p0 $0x0, s1;
	[sflag:s0] =	ssyncset.done @!p0 $0x0  }
0x356: {  	[sflag:s0] =	ssyncadd.s32 @!p0 s1  }
0x357: {  	[bflag:$0x3] =	sbarrier.arrive $0xFFFF  }
0x358: {  	_ =	shalt  }

</sc_bundles>
